<compile_context>
chip_gen: v7x
topology: tpu7x:2x2x1
jax: 0.10.2.dev20260603
libtpu: 0.0.44.dev20260713+nightly
codegen_flags: <defaults>
</compile_context>

<pallas_src>
import functools

import jax
import jax.numpy as jnp
from jax import lax
from jax.experimental import pallas as pl
from jax.experimental.pallas import tpu as pltpu
from jax.experimental.pallas import tpu_sc as plsc

_TC_ROWS = 2560


def _tc_gaines_div(d_ref, o_ref):
    o_ref[...] = (d_ref[0] + d_ref[1] > 0.0).astype(jnp.float32)


def _sc_gaines_div(row0, sc_rows, cols, rows_per_w, stripe, num_cores):
    nch = rows_per_w // stripe
    assert nch % 2 == 0

    mesh = plsc.VectorSubcoreMesh(core_axis_name="c", subcore_axis_name="s")

    @functools.partial(
        pl.kernel,
        mesh=mesh,
        out_type=jax.ShapeDtypeStruct((sc_rows, cols), jnp.float32),
        scratch_types=[
            pltpu.VMEM((2, stripe, cols), jnp.float32),
            pltpu.VMEM((2, stripe, cols), jnp.float32),
            pltpu.VMEM((2, stripe, cols), jnp.float32),
            pltpu.SemaphoreType.DMA((2,)),
            pltpu.SemaphoreType.DMA((2,)),
        ],
    )
    def sc_k(d_hbm, out_hbm, va, vb, vo, sem_in, sem_out):
        wid = lax.axis_index("s") * num_cores + lax.axis_index("c")
        base = wid * rows_per_w

        def start_in(j, slot):
            row = row0 + base + j * stripe
            pltpu.async_copy(d_hbm.at[0, pl.ds(row, stripe), :], va.at[slot],
                             sem_in.at[slot])
            pltpu.async_copy(d_hbm.at[1, pl.ds(row, stripe), :], vb.at[slot],
                             sem_in.at[slot])

        def wait_in(slot):
            pltpu.make_async_copy(d_hbm.at[0, pl.ds(row0, stripe), :],
                                  va.at[slot], sem_in.at[slot]).wait()
            pltpu.make_async_copy(d_hbm.at[0, pl.ds(row0, stripe), :],
                                  vb.at[slot], sem_in.at[slot]).wait()

        def wait_out(slot):
            pltpu.make_async_copy(vo.at[slot],
                                  out_hbm.at[pl.ds(base, stripe), :],
                                  sem_out.at[slot]).wait()

        start_in(0, 0)
        start_in(1, 1)

        def step(g, carry):
            for slot in range(2):
                j = g * 2 + slot
                wait_in(slot)

                @pl.when(g > 0)
                def _():
                    wait_out(slot)

                for r in range(stripe):

                    @plsc.parallel_loop(0, cols, 16, unroll=8)
                    def _(k):
                        s = va[slot, r, pl.ds(k, 16)] + vb[slot, r, pl.ds(k, 16)]
                        vo[slot, r, pl.ds(k, 16)] = jnp.where(s > 0.0, 1.0, 0.0)

                pltpu.async_copy(
                    vo.at[slot],
                    out_hbm.at[pl.ds(base + j * stripe, stripe), :],
                    sem_out.at[slot])

                @pl.when(j + 2 < nch)
                def _():
                    start_in(j + 2, slot)
            return carry

        lax.fori_loop(0, nch // 2, step, 0)
        wait_out(0)
        wait_out(1)

    return sc_k


def kernel(dividend, divisor):
    del divisor
    _, rows, cols = dividend.shape
    info = plsc.get_sparse_core_info()
    nw = info.num_cores * info.num_subcores

    tc_rows = _TC_ROWS
    sc_rows = rows - tc_rows
    rows_per_w = sc_rows // nw
    stripe = 8

    out_sc = _sc_gaines_div(tc_rows, sc_rows, cols, rows_per_w,
                            stripe, info.num_cores)(dividend)

    block_rows = 512
    out_tc = pl.pallas_call(
        _tc_gaines_div,
        grid=(tc_rows // block_rows,),
        in_specs=[pl.BlockSpec((2, block_rows, cols), lambda i: (0, i, 0))],
        out_specs=pl.BlockSpec((block_rows, cols), lambda i: (i, 0)),
        out_shape=jax.ShapeDtypeStruct((rows, cols), jnp.float32),
    )(dividend)

    return jax.lax.dynamic_update_slice(out_tc, out_sc, (tc_rows, 0))

# --- scband reference (transcript-rebuilt; emitter-appended) ---
"""Pipeline reference for scband-gaines-div-62663572848816 (READ-ONLY COPY).

The authoritative reference and input builder live on the scoring server;
editing this copy changes nothing except your own understanding.
"""

import jax, jax.numpy as jnp
import numpy as np

# NOTE: The original torch source is broken (references undefined self.scaled, randNum,
# input, acc_dim; default randtype=toch.float is a NameError). We reconstruct the only
# executable path: the non-scaled branch, treating `input` as `dividend` and acc_dim=0:
#   output = (sum(input, acc_dim) > 0).type(bstype)
# divisor is accepted but (as in the original forward body) unused.

def setup_inputs(seed: int = 0) -> dict:
    key = jax.random.key(seed)
    k1, k2 = jax.random.split(key)
    dividend = jax.random.normal(k1, (2, 4096, 2048), dtype=jnp.float32)
    divisor = jax.random.normal(k2, (2, 4096, 2048), dtype=jnp.float32)
    return {"dividend": dividend, "divisor": divisor}


def reference(dividend, divisor):
    acc_dim = 0
    # else-branch of the original forward: torch.gt(torch.sum(input, acc_dim), 0)
    out = jnp.greater(jnp.sum(dividend, axis=acc_dim), 0)
    # .type(self.bstype) with bstype=torch.float
    return out.astype(jnp.float32)

if __name__ == "__main__":
    import jax
    _d = setup_inputs()
    print(jax.jit(kernel)(*tuple(_d.values())))

</pallas_src>

<mosaic_0001>
#map = affine_map<(d0, d1) -> (0, 0, 0)>
#map1 = affine_map<(d0, d1) -> (0, 0)>
module attributes {stable_mosaic.version = 14 : i64} {
  func.func @sc_k(%arg0: i32, %arg1: i32, %arg2: memref<2x4096x2048xf32, #tpu.memory_space<hbm>>, %arg3: memref<1536x2048xf32, #tpu.memory_space<hbm>>, %arg4: memref<2x8x2048xf32, #tpu.memory_space<vmem>>, %arg5: memref<2x8x2048xf32, #tpu.memory_space<vmem>>, %arg6: memref<2x8x2048xf32, #tpu.memory_space<vmem>>, %arg7: memref<2x!tpu.dma_semaphore, #tpu.memory_space<semaphore_mem>>, %arg8: memref<2x!tpu.dma_semaphore, #tpu.memory_space<semaphore_mem>>) attributes {dimension_semantics = [#tpu.dimension_semantics<core_parallel>, #tpu.dimension_semantics<subcore_parallel>], iteration_bounds = array<i64: 2, 16>, scalar_prefetch = 0 : i64, scratch_operands = 5 : i64, tpu.core_type = #tpu.core_type<sc_vector_subcore>, window_params = [{transform_indices = #map}, {transform_indices = #map1}]} {
    %mul3A = arith.constant 2 : i32
    %mul3A_0 = arith.muli %arg1, %mul3A : i32
    %add3A = arith.addi %mul3A_0, %arg0 : i32
    %mul3A_1 = arith.constant 48 : i32
    %mul3A_2 = arith.muli %add3A, %mul3A_1 : i32
    %add3A_3 = arith.constant 2560 : i32
    %add3A_4 = arith.addi %add3A_3, %mul3A_2 : i32
    %add3A_5 = arith.constant 0 : i32
    %add3A_6 = arith.addi %add3A_4, %add3A_5 : i32
    %dma_start3A = arith.constant 0 : i32
    %dma_start3A_7 = arith.constant 0 : i32
    %dma_start3A_8 = arith.constant 0 : i32
    %dma_start3A_9 = arith.constant 0 : i32
    %dma_start3A_10 = arith.constant 0 : i32
    %dma_start3A_11 = tpu.memref_slice %arg4[%dma_start3A_7, %dma_start3A_9, %dma_start3A_10] : memref<2x8x2048xf32, #tpu.memory_space<vmem>> -> memref<1x8x2048xf32, #tpu.memory_space<vmem>>
    %dma_start3A_12 = tpu.memref_squeeze %dma_start3A_11 : memref<1x8x2048xf32, #tpu.memory_space<vmem>> -> memref<8x2048xf32, #tpu.memory_space<vmem>>
    %dma_start3A_13 = arith.constant 0 : i32
    %dma_start3A_14 = tpu.memref_slice %arg2[%dma_start3A, %add3A_6, %dma_start3A_13] : memref<2x4096x2048xf32, #tpu.memory_space<hbm>> -> memref<1x8x2048xf32, #tpu.memory_space<hbm>>
    %dma_start3A_15 = tpu.memref_squeeze %dma_start3A_14 : memref<1x8x2048xf32, #tpu.memory_space<hbm>> -> memref<8x2048xf32, #tpu.memory_space<hbm>>
    %dma_start3A_16 = tpu.memref_slice %arg7[%dma_start3A_8] : memref<2x!tpu.dma_semaphore, #tpu.memory_space<semaphore_mem>> -> memref<1x!tpu.dma_semaphore, #tpu.memory_space<semaphore_mem>>
    %dma_start3A_17 = tpu.memref_squeeze %dma_start3A_16 : memref<1x!tpu.dma_semaphore, #tpu.memory_space<semaphore_mem>> -> memref<!tpu.dma_semaphore, #tpu.memory_space<semaphore_mem>>
    %dma_start3A_18 = arith.constant 0 : i32
    %dma_start3A_19 = arith.constant 0 : i32
    %dma_start3A_20 = tpu.memref_slice %arg4[%dma_start3A_7, %dma_start3A_18, %dma_start3A_19] : memref<2x8x2048xf32, #tpu.memory_space<vmem>> -> memref<1x8x2048xf32, #tpu.memory_space<vmem>>
    %dma_start3A_21 = tpu.memref_squeeze %dma_start3A_20 : memref<1x8x2048xf32, #tpu.memory_space<vmem>> -> memref<8x2048xf32, #tpu.memory_space<vmem>>
    %dma_start3A_22 = arith.constant 0 : i32
    %dma_start3A_23 = tpu.memref_slice %arg2[%dma_start3A, %add3A_6, %dma_start3A_22] : memref<2x4096x2048xf32, #tpu.memory_space<hbm>> -> memref<1x8x2048xf32, #tpu.memory_space<hbm>>
    %dma_start3A_24 = tpu.memref_squeeze %dma_start3A_23 : memref<1x8x2048xf32, #tpu.memory_space<hbm>> -> memref<8x2048xf32, #tpu.memory_space<hbm>>
    tpu.enqueue_dma source(%dma_start3A_24 : memref<8x2048xf32, #tpu.memory_space<hbm>>) target(%dma_start3A_21 : memref<8x2048xf32, #tpu.memory_space<vmem>>) target_semaphore(%dma_start3A_17 : memref<!tpu.dma_semaphore, #tpu.memory_space<semaphore_mem>>)
    %dma_start3A_25 = arith.constant 1 : i32
    %dma_start3A_26 = arith.constant 0 : i32
    %dma_start3A_27 = arith.constant 0 : i32
    %dma_start3A_28 = arith.constant 0 : i32
    %dma_start3A_29 = arith.constant 0 : i32
    %dma_start3A_30 = tpu.memref_slice %arg5[%dma_start3A_26, %dma_start3A_28, %dma_start3A_29] : memref<2x8x2048xf32, #tpu.memory_space<vmem>> -> memref<1x8x2048xf32, #tpu.memory_space<vmem>>
    %dma_start3A_31 = tpu.memref_squeeze %dma_start3A_30 : memref<1x8x2048xf32, #tpu.memory_space<vmem>> -> memref<8x2048xf32, #tpu.memory_space<vmem>>
    %dma_start3A_32 = arith.constant 0 : i32
    %dma_start3A_33 = tpu.memref_slice %arg2[%dma_start3A_25, %add3A_6, %dma_start3A_32] : memref<2x4096x2048xf32, #tpu.memory_space<hbm>> -> memref<1x8x2048xf32, #tpu.memory_space<hbm>>
    %dma_start3A_34 = tpu.memref_squeeze %dma_start3A_33 : memref<1x8x2048xf32, #tpu.memory_space<hbm>> -> memref<8x2048xf32, #tpu.memory_space<hbm>>
    %dma_start3A_35 = tpu.memref_slice %arg7[%dma_start3A_27] : memref<2x!tpu.dma_semaphore, #tpu.memory_space<semaphore_mem>> -> memref<1x!tpu.dma_semaphore, #tpu.memory_space<semaphore_mem>>
    %dma_start3A_36 = tpu.memref_squeeze %dma_start3A_35 : memref<1x!tpu.dma_semaphore, #tpu.memory_space<semaphore_mem>> -> memref<!tpu.dma_semaphore, #tpu.memory_space<semaphore_mem>>
    %dma_start3A_37 = arith.constant 0 : i32
    %dma_start3A_38 = arith.constant 0 : i32
    %dma_start3A_39 = tpu.memref_slice %arg5[%dma_start3A_26, %dma_start3A_37, %dma_start3A_38] : memref<2x8x2048xf32, #tpu.memory_space<vmem>> -> memref<1x8x2048xf32, #tpu.memory_space<vmem>>
    %dma_start3A_40 = tpu.memref_squeeze %dma_start3A_39 : memref<1x8x2048xf32, #tpu.memory_space<vmem>> -> memref<8x2048xf32, #tpu.memory_space<vmem>>
    %dma_start3A_41 = arith.constant 0 : i32
    %dma_start3A_42 = tpu.memref_slice %arg2[%dma_start3A_25, %add3A_6, %dma_start3A_41] : memref<2x4096x2048xf32, #tpu.memory_space<hbm>> -> memref<1x8x2048xf32, #tpu.memory_space<hbm>>
    %dma_start3A_43 = tpu.memref_squeeze %dma_start3A_42 : memref<1x8x2048xf32, #tpu.memory_space<hbm>> -> memref<8x2048xf32, #tpu.memory_space<hbm>>
    tpu.enqueue_dma source(%dma_start3A_43 : memref<8x2048xf32, #tpu.memory_space<hbm>>) target(%dma_start3A_40 : memref<8x2048xf32, #tpu.memory_space<vmem>>) target_semaphore(%dma_start3A_36 : memref<!tpu.dma_semaphore, #tpu.memory_space<semaphore_mem>>)
    %add3A_44 = arith.constant 2560 : i32
    %add3A_45 = arith.addi %add3A_44, %mul3A_2 : i32
    %add3A_46 = arith.constant 8 : i32
    %add3A_47 = arith.addi %add3A_45, %add3A_46 : i32
    %dma_start3A_48 = arith.constant 0 : i32
    %dma_start3A_49 = arith.constant 1 : i32
    %dma_start3A_50 = arith.constant 1 : i32
    %dma_start3A_51 = arith.constant 0 : i32
    %dma_start3A_52 = arith.constant 0 : i32
    %dma_start3A_53 = tpu.memref_slice %arg4[%dma_start3A_49, %dma_start3A_51, %dma_start3A_52] : memref<2x8x2048xf32, #tpu.memory_space<vmem>> -> memref<1x8x2048xf32, #tpu.memory_space<vmem>>
    %dma_start3A_54 = tpu.memref_squeeze %dma_start3A_53 : memref<1x8x2048xf32, #tpu.memory_space<vmem>> -> memref<8x2048xf32, #tpu.memory_space<vmem>>
    %dma_start3A_55 = arith.constant 0 : i32
    %dma_start3A_56 = tpu.memref_slice %arg2[%dma_start3A_48, %add3A_47, %dma_start3A_55] : memref<2x4096x2048xf32, #tpu.memory_space<hbm>> -> memref<1x8x2048xf32, #tpu.memory_space<hbm>>
    %dma_start3A_57 = tpu.memref_squeeze %dma_start3A_56 : memref<1x8x2048xf32, #tpu.memory_space<hbm>> -> memref<8x2048xf32, #tpu.memory_space<hbm>>
    %dma_start3A_58 = tpu.memref_slice %arg7[%dma_start3A_50] : memref<2x!tpu.dma_semaphore, #tpu.memory_space<semaphore_mem>> -> memref<1x!tpu.dma_semaphore, #tpu.memory_space<semaphore_mem>>
    %dma_start3A_59 = tpu.memref_squeeze %dma_start3A_58 : memref<1x!tpu.dma_semaphore, #tpu.memory_space<semaphore_mem>> -> memref<!tpu.dma_semaphore, #tpu.memory_space<semaphore_mem>>
    %dma_start3A_60 = arith.constant 0 : i32
    %dma_start3A_61 = arith.constant 0 : i32
    %dma_start3A_62 = tpu.memref_slice %arg4[%dma_start3A_49, %dma_start3A_60, %dma_start3A_61] : memref<2x8x2048xf32, #tpu.memory_space<vmem>> -> memref<1x8x2048xf32, #tpu.memory_space<vmem>>
    %dma_start3A_63 = tpu.memref_squeeze %dma_start3A_62 : memref<1x8x2048xf32, #tpu.memory_space<vmem>> -> memref<8x2048xf32, #tpu.memory_space<vmem>>
    %dma_start3A_64 = arith.constant 0 : i32
    %dma_start3A_65 = tpu.memref_slice %arg2[%dma_start3A_48, %add3A_47, %dma_start3A_64] : memref<2x4096x2048xf32, #tpu.memory_space<hbm>> -> memref<1x8x2048xf32, #tpu.memory_space<hbm>>
    %dma_start3A_66 = tpu.memref_squeeze %dma_start3A_65 : memref<1x8x2048xf32, #tpu.memory_space<hbm>> -> memref<8x2048xf32, #tpu.memory_space<hbm>>
    tpu.enqueue_dma source(%dma_start3A_66 : memref<8x2048xf32, #tpu.memory_space<hbm>>) target(%dma_start3A_63 : memref<8x2048xf32, #tpu.memory_space<vmem>>) target_semaphore(%dma_start3A_59 : memref<!tpu.dma_semaphore, #tpu.memory_space<semaphore_mem>>)
    %dma_start3A_67 = arith.constant 1 : i32
    %dma_start3A_68 = arith.constant 1 : i32
    %dma_start3A_69 = arith.constant 1 : i32
    %dma_start3A_70 = arith.constant 0 : i32
    %dma_start3A_71 = arith.constant 0 : i32
    %dma_start3A_72 = tpu.memref_slice %arg5[%dma_start3A_68, %dma_start3A_70, %dma_start3A_71] : memref<2x8x2048xf32, #tpu.memory_space<vmem>> -> memref<1x8x2048xf32, #tpu.memory_space<vmem>>
    %dma_start3A_73 = tpu.memref_squeeze %dma_start3A_72 : memref<1x8x2048xf32, #tpu.memory_space<vmem>> -> memref<8x2048xf32, #tpu.memory_space<vmem>>
    %dma_start3A_74 = arith.constant 0 : i32
    %dma_start3A_75 = tpu.memref_slice %arg2[%dma_start3A_67, %add3A_47, %dma_start3A_74] : memref<2x4096x2048xf32, #tpu.memory_space<hbm>> -> memref<1x8x2048xf32, #tpu.memory_space<hbm>>
    %dma_start3A_76 = tpu.memref_squeeze %dma_start3A_75 : memref<1x8x2048xf32, #tpu.memory_space<hbm>> -> memref<8x2048xf32, #tpu.memory_space<hbm>>
    %dma_start3A_77 = tpu.memref_slice %arg7[%dma_start3A_69] : memref<2x!tpu.dma_semaphore, #tpu.memory_space<semaphore_mem>> -> memref<1x!tpu.dma_semaphore, #tpu.memory_space<semaphore_mem>>
    %dma_start3A_78 = tpu.memref_squeeze %dma_start3A_77 : memref<1x!tpu.dma_semaphore, #tpu.memory_space<semaphore_mem>> -> memref<!tpu.dma_semaphore, #tpu.memory_space<semaphore_mem>>
    %dma_start3A_79 = arith.constant 0 : i32
    %dma_start3A_80 = arith.constant 0 : i32
    %dma_start3A_81 = tpu.memref_slice %arg5[%dma_start3A_68, %dma_start3A_79, %dma_start3A_80] : memref<2x8x2048xf32, #tpu.memory_space<vmem>> -> memref<1x8x2048xf32, #tpu.memory_space<vmem>>
    %dma_start3A_82 = tpu.memref_squeeze %dma_start3A_81 : memref<1x8x2048xf32, #tpu.memory_space<vmem>> -> memref<8x2048xf32, #tpu.memory_space<vmem>>
    %dma_start3A_83 = arith.constant 0 : i32
    %dma_start3A_84 = tpu.memref_slice %arg2[%dma_start3A_67, %add3A_47, %dma_start3A_83] : memref<2x4096x2048xf32, #tpu.memory_space<hbm>> -> memref<1x8x2048xf32, #tpu.memory_space<hbm>>
    %dma_start3A_85 = tpu.memref_squeeze %dma_start3A_84 : memref<1x8x2048xf32, #tpu.memory_space<hbm>> -> memref<8x2048xf32, #tpu.memory_space<hbm>>
    tpu.enqueue_dma source(%dma_start3A_85 : memref<8x2048xf32, #tpu.memory_space<hbm>>) target(%dma_start3A_82 : memref<8x2048xf32, #tpu.memory_space<vmem>>) target_semaphore(%dma_start3A_78 : memref<!tpu.dma_semaphore, #tpu.memory_space<semaphore_mem>>)
    %scan3A = arith.constant 0 : i32
    %scan3A_86 = arith.constant 0 : i32
    %scan3A_87 = arith.constant 3 : i32
    %scan3A_88 = arith.addi %scan3A_86, %scan3A_87 : i32
    %scan3A_89 = arith.constant 1 : i32
    scf.for %scan3A_122 = %scan3A_86 to %scan3A_88 step %scan3A_89  : i32 {
      %mul3A_123 = arith.constant 2 : i32
      %mul3A_124 = arith.muli %scan3A_122, %mul3A_123 : i32
      %add3A_125 = arith.constant 0 : i32
      %add3A_126 = arith.addi %mul3A_124, %add3A_125 : i32
      %dma_wait3A_127 = arith.constant 0 : i32
      %dma_wait3A_128 = arith.constant 0 : i32
      %dma_wait3A_129 = arith.constant 0 : i32
      %dma_wait3A_130 = arith.constant 0 : i32
      %dma_wait3A_131 = arith.constant 0 : i32
      %dma_wait3A_132 = tpu.memref_slice %arg4[%dma_wait3A_128, %dma_wait3A_130, %dma_wait3A_131] : memref<2x8x2048xf32, #tpu.memory_space<vmem>> -> memref<1x8x2048xf32, #tpu.memory_space<vmem>>
      %dma_wait3A_133 = tpu.memref_squeeze %dma_wait3A_132 : memref<1x8x2048xf32, #tpu.memory_space<vmem>> -> memref<8x2048xf32, #tpu.memory_space<vmem>>
      %dma_wait3A_134 = arith.constant 2560 : i32
      %dma_wait3A_135 = arith.constant 0 : i32
      %dma_wait3A_136 = tpu.memref_slice %arg2[%dma_wait3A_127, %dma_wait3A_134, %dma_wait3A_135] : memref<2x4096x2048xf32, #tpu.memory_space<hbm>> -> memref<1x8x2048xf32, #tpu.memory_space<hbm>>
      %dma_wait3A_137 = tpu.memref_squeeze %dma_wait3A_136 : memref<1x8x2048xf32, #tpu.memory_space<hbm>> -> memref<8x2048xf32, #tpu.memory_space<hbm>>
      %dma_wait3A_138 = tpu.memref_slice %arg7[%dma_wait3A_129] : memref<2x!tpu.dma_semaphore, #tpu.memory_space<semaphore_mem>> -> memref<1x!tpu.dma_semaphore, #tpu.memory_space<semaphore_mem>>
      %dma_wait3A_139 = tpu.memref_squeeze %dma_wait3A_138 : memref<1x!tpu.dma_semaphore, #tpu.memory_space<semaphore_mem>> -> memref<!tpu.dma_semaphore, #tpu.memory_space<semaphore_mem>>
      %dma_wait3A_140 = arith.constant 0 : i32
      %dma_wait3A_141 = arith.constant 0 : i32
      %dma_wait3A_142 = tpu.memref_slice %arg4[%dma_wait3A_128, %dma_wait3A_140, %dma_wait3A_141] : memref<2x8x2048xf32, #tpu.memory_space<vmem>> -> memref<1x8x2048xf32, #tpu.memory_space<vmem>>
      %dma_wait3A_143 = tpu.memref_squeeze %dma_wait3A_142 : memref<1x8x2048xf32, #tpu.memory_space<vmem>> -> memref<8x2048xf32, #tpu.memory_space<vmem>>
      %dma_wait3A_144 = arith.constant 2560 : i32
      %dma_wait3A_145 = arith.constant 0 : i32
      %dma_wait3A_146 = tpu.memref_slice %arg2[%dma_wait3A_127, %dma_wait3A_144, %dma_wait3A_145] : memref<2x4096x2048xf32, #tpu.memory_space<hbm>> -> memref<1x8x2048xf32, #tpu.memory_space<hbm>>
      %dma_wait3A_147 = tpu.memref_squeeze %dma_wait3A_146 : memref<1x8x2048xf32, #tpu.memory_space<hbm>> -> memref<8x2048xf32, #tpu.memory_space<hbm>>
      tpu.wait_dma2 semaphore(%dma_wait3A_139 : memref<!tpu.dma_semaphore, #tpu.memory_space<semaphore_mem>>) src(%dma_wait3A_147 : memref<8x2048xf32, #tpu.memory_space<hbm>>) dst(%dma_wait3A_143 : memref<8x2048xf32, #tpu.memory_space<vmem>>)
      %dma_wait3A_148 = arith.constant 0 : i32
      %dma_wait3A_149 = arith.constant 0 : i32
      %dma_wait3A_150 = arith.constant 0 : i32
      %dma_wait3A_151 = arith.constant 0 : i32
      %dma_wait3A_152 = arith.constant 0 : i32
      %dma_wait3A_153 = tpu.memref_slice %arg5[%dma_wait3A_149, %dma_wait3A_151, %dma_wait3A_152] : memref<2x8x2048xf32, #tpu.memory_space<vmem>> -> memref<1x8x2048xf32, #tpu.memory_space<vmem>>
      %dma_wait3A_154 = tpu.memref_squeeze %dma_wait3A_153 : memref<1x8x2048xf32, #tpu.memory_space<vmem>> -> memref<8x2048xf32, #tpu.memory_space<vmem>>
      %dma_wait3A_155 = arith.constant 2560 : i32
      %dma_wait3A_156 = arith.constant 0 : i32
      %dma_wait3A_157 = tpu.memref_slice %arg2[%dma_wait3A_148, %dma_wait3A_155, %dma_wait3A_156] : memref<2x4096x2048xf32, #tpu.memory_space<hbm>> -> memref<1x8x2048xf32, #tpu.memory_space<hbm>>
      %dma_wait3A_158 = tpu.memref_squeeze %dma_wait3A_157 : memref<1x8x2048xf32, #tpu.memory_space<hbm>> -> memref<8x2048xf32, #tpu.memory_space<hbm>>
      %dma_wait3A_159 = tpu.memref_slice %arg7[%dma_wait3A_150] : memref<2x!tpu.dma_semaphore, #tpu.memory_space<semaphore_mem>> -> memref<1x!tpu.dma_semaphore, #tpu.memory_space<semaphore_mem>>
      %dma_wait3A_160 = tpu.memref_squeeze %dma_wait3A_159 : memref<1x!tpu.dma_semaphore, #tpu.memory_space<semaphore_mem>> -> memref<!tpu.dma_semaphore, #tpu.memory_space<semaphore_mem>>
      %dma_wait3A_161 = arith.constant 0 : i32
      %dma_wait3A_162 = arith.constant 0 : i32
      %dma_wait3A_163 = tpu.memref_slice %arg5[%dma_wait3A_149, %dma_wait3A_161, %dma_wait3A_162] : memref<2x8x2048xf32, #tpu.memory_space<vmem>> -> memref<1x8x2048xf32, #tpu.memory_space<vmem>>
      %dma_wait3A_164 = tpu.memref_squeeze %dma_wait3A_163 : memref<1x8x2048xf32, #tpu.memory_space<vmem>> -> memref<8x2048xf32, #tpu.memory_space<vmem>>
      %dma_wait3A_165 = arith.constant 2560 : i32
      %dma_wait3A_166 = arith.constant 0 : i32
      %dma_wait3A_167 = tpu.memref_slice %arg2[%dma_wait3A_148, %dma_wait3A_165, %dma_wait3A_166] : memref<2x4096x2048xf32, #tpu.memory_space<hbm>> -> memref<1x8x2048xf32, #tpu.memory_space<hbm>>
      %dma_wait3A_168 = tpu.memref_squeeze %dma_wait3A_167 : memref<1x8x2048xf32, #tpu.memory_space<hbm>> -> memref<8x2048xf32, #tpu.memory_space<hbm>>
      tpu.wait_dma2 semaphore(%dma_wait3A_160 : memref<!tpu.dma_semaphore, #tpu.memory_space<semaphore_mem>>) src(%dma_wait3A_168 : memref<8x2048xf32, #tpu.memory_space<hbm>>) dst(%dma_wait3A_164 : memref<8x2048xf32, #tpu.memory_space<vmem>>)
      %gt3A = arith.constant 0 : i32
      %gt3A_169 = arith.cmpi sgt, %scan3A_122, %gt3A : i32
      %convert_element_type3A = arith.extui %gt3A_169 : i1 to i32
      %cond3A = arith.constant 0 : i32
      %cond3A_170 = arith.cmpi ne, %convert_element_type3A, %cond3A : i32
      scf.if %cond3A_170 {
        %dma_wait3A_320 = arith.constant 0 : i32
        %dma_wait3A_321 = arith.constant 0 : i32
        %dma_wait3A_322 = arith.constant 0 : i32
        %dma_wait3A_323 = arith.constant 0 : i32
        %dma_wait3A_324 = tpu.memref_slice %arg6[%dma_wait3A_320, %dma_wait3A_322, %dma_wait3A_323] : memref<2x8x2048xf32, #tpu.memory_space<vmem>> -> memref<1x8x2048xf32, #tpu.memory_space<vmem>>
        %dma_wait3A_325 = tpu.memref_squeeze %dma_wait3A_324 : memref<1x8x2048xf32, #tpu.memory_space<vmem>> -> memref<8x2048xf32, #tpu.memory_space<vmem>>
        %dma_wait3A_326 = arith.constant 0 : i32
        %dma_wait3A_327 = tpu.memref_slice %arg3[%mul3A_2, %dma_wait3A_326] : memref<1536x2048xf32, #tpu.memory_space<hbm>> -> memref<8x2048xf32, #tpu.memory_space<hbm>>
        %dma_wait3A_328 = tpu.memref_slice %arg8[%dma_wait3A_321] : memref<2x!tpu.dma_semaphore, #tpu.memory_space<semaphore_mem>> -> memref<1x!tpu.dma_semaphore, #tpu.memory_space<semaphore_mem>>
        %dma_wait3A_329 = tpu.memref_squeeze %dma_wait3A_328 : memref<1x!tpu.dma_semaphore, #tpu.memory_space<semaphore_mem>> -> memref<!tpu.dma_semaphore, #tpu.memory_space<semaphore_mem>>
        %dma_wait3A_330 = arith.constant 0 : i32
        %dma_wait3A_331 = tpu.memref_slice %arg3[%mul3A_2, %dma_wait3A_330] : memref<1536x2048xf32, #tpu.memory_space<hbm>> -> memref<8x2048xf32, #tpu.memory_space<hbm>>
        %dma_wait3A_332 = arith.constant 0 : i32
        %dma_wait3A_333 = arith.constant 0 : i32
        %dma_wait3A_334 = tpu.memref_slice %arg6[%dma_wait3A_320, %dma_wait3A_332, %dma_wait3A_333] : memref<2x8x2048xf32, #tpu.memory_space<vmem>> -> memref<1x8x2048xf32, #tpu.memory_space<vmem>>
        %dma_wait3A_335 = tpu.memref_squeeze %dma_wait3A_334 : memref<1x8x2048xf32, #tpu.memory_space<vmem>> -> memref<8x2048xf32, #tpu.memory_space<vmem>>
        tpu.wait_dma2 semaphore(%dma_wait3A_329 : memref<!tpu.dma_semaphore, #tpu.memory_space<semaphore_mem>>) src(%dma_wait3A_335 : memref<8x2048xf32, #tpu.memory_space<vmem>>) dst(%dma_wait3A_331 : memref<8x2048xf32, #tpu.memory_space<hbm>>)
      } else {
      }
      %parallel_loop3A = arith.constant 0 : i32
      %parallel_loop3A_171 = arith.constant 2048 : i32
      %parallel_loop3A_172 = arith.constant 16 : i32
      scf.for %parallel_loop3A_320 = %parallel_loop3A to %parallel_loop3A_171 step %parallel_loop3A_172  : i32 {
        %parallel_loop3A_321 = arith.constant 0 : i32
        %parallel_loop3A_322 = arith.constant 0 : i32
        %parallel_loop3A_323 = arith.index_cast %parallel_loop3A_321 : i32 to index
        %parallel_loop3A_324 = arith.index_cast %parallel_loop3A_322 : i32 to index
        %parallel_loop3A_325 = arith.index_cast %parallel_loop3A_320 : i32 to index
        %parallel_loop3A_326 = tpu.vector_load %arg4[%parallel_loop3A_323, %parallel_loop3A_324, %parallel_loop3A_325] {strides = array<i32>} : memref<2x8x2048xf32, #tpu.memory_space<vmem>>, vector<1x1x16xf32>,
        %parallel_loop3A_327 = vector.shape_cast %parallel_loop3A_326 : vector<1x1x16xf32> to vector<16xf32>
        %parallel_loop3A_328 = arith.constant 0 : i32
        %parallel_loop3A_329 = arith.constant 0 : i32
        %parallel_loop3A_330 = arith.index_cast %parallel_loop3A_328 : i32 to index
        %parallel_loop3A_331 = arith.index_cast %parallel_loop3A_329 : i32 to index
        %parallel_loop3A_332 = arith.index_cast %parallel_loop3A_320 : i32 to index
        %parallel_loop3A_333 = tpu.vector_load %arg5[%parallel_loop3A_330, %parallel_loop3A_331, %parallel_loop3A_332] {strides = array<i32>} : memref<2x8x2048xf32, #tpu.memory_space<vmem>>, vector<1x1x16xf32>,
        %parallel_loop3A_334 = vector.shape_cast %parallel_loop3A_333 : vector<1x1x16xf32> to vector<16xf32>
        %parallel_loop3A_335 = arith.addf %parallel_loop3A_327, %parallel_loop3A_334 : vector<16xf32>
        %parallel_loop3A_336 = arith.constant 0.000000e+00 : f32
        %parallel_loop3A_337 = vector.broadcast %parallel_loop3A_336 : f32 to vector<16xf32>
        %parallel_loop3A_338 = arith.cmpf ogt, %parallel_loop3A_335, %parallel_loop3A_337 : vector<16xf32>
        %parallel_loop3A_339 = arith.constant 1.000000e+00 : f32
        %parallel_loop3A_340 = arith.constant 0.000000e+00 : f32
        %parallel_loop3A_341 = vector.broadcast %parallel_loop3A_339 : f32 to vector<16xf32>
        %parallel_loop3A_342 = vector.broadcast %parallel_loop3A_340 : f32 to vector<16xf32>
        %parallel_loop3A_343 = arith.select %parallel_loop3A_338, %parallel_loop3A_341, %parallel_loop3A_342 : vector<16xi1>, vector<16xf32>
        %parallel_loop3A_344 = arith.constant 0 : i32
        %parallel_loop3A_345 = arith.constant 0 : i32
        %parallel_loop3A_346 = arith.index_cast %parallel_loop3A_344 : i32 to index
        %parallel_loop3A_347 = arith.index_cast %parallel_loop3A_345 : i32 to index
        %parallel_loop3A_348 = arith.index_cast %parallel_loop3A_320 : i32 to index
        %parallel_loop3A_349 = tpu.vector_load %arg6[%parallel_loop3A_346, %parallel_loop3A_347, %parallel_loop3A_348] {strides = array<i32>} : memref<2x8x2048xf32, #tpu.memory_space<vmem>>, vector<1x1x16xf32>,
        %parallel_loop3A_350 = vector.shape_cast %parallel_loop3A_349 : vector<1x1x16xf32> to vector<16xf32>
        %parallel_loop3A_351 = vector.shape_cast %parallel_loop3A_343 : vector<16xf32> to vector<1x1x16xf32>
        tpu.vector_store %arg6[%parallel_loop3A_346, %parallel_loop3A_347, %parallel_loop3A_348], %parallel_loop3A_351 {strides = array<i32>} : memref<2x8x2048xf32, #tpu.memory_space<vmem>>, vector<1x1x16xf32>,
      } {sc.loop_unroll_factor = 8 : i64, sc.parallel_access}
      %parallel_loop3A_173 = arith.constant 0 : i32
      %parallel_loop3A_174 = arith.constant 2048 : i32
      %parallel_loop3A_175 = arith.constant 16 : i32
      scf.for %parallel_loop3A_320 = %parallel_loop3A_173 to %parallel_loop3A_174 step %parallel_loop3A_175  : i32 {
        %parallel_loop3A_321 = arith.constant 0 : i32
        %parallel_loop3A_322 = arith.constant 1 : i32
        %parallel_loop3A_323 = arith.index_cast %parallel_loop3A_321 : i32 to index
        %parallel_loop3A_324 = arith.index_cast %parallel_loop3A_322 : i32 to index
        %parallel_loop3A_325 = arith.index_cast %parallel_loop3A_320 : i32 to index
        %parallel_loop3A_326 = tpu.vector_load %arg4[%parallel_loop3A_323, %parallel_loop3A_324, %parallel_loop3A_325] {strides = array<i32>} : memref<2x8x2048xf32, #tpu.memory_space<vmem>>, vector<1x1x16xf32>,
        %parallel_loop3A_327 = vector.shape_cast %parallel_loop3A_326 : vector<1x1x16xf32> to vector<16xf32>
        %parallel_loop3A_328 = arith.constant 0 : i32
        %parallel_loop3A_329 = arith.constant 1 : i32
        %parallel_loop3A_330 = arith.index_cast %parallel_loop3A_328 : i32 to index
        %parallel_loop3A_331 = arith.index_cast %parallel_loop3A_329 : i32 to index
        %parallel_loop3A_332 = arith.index_cast %parallel_loop3A_320 : i32 to index
        %parallel_loop3A_333 = tpu.vector_load %arg5[%parallel_loop3A_330, %parallel_loop3A_331, %parallel_loop3A_332] {strides = array<i32>} : memref<2x8x2048xf32, #tpu.memory_space<vmem>>, vector<1x1x16xf32>,
        %parallel_loop3A_334 = vector.shape_cast %parallel_loop3A_333 : vector<1x1x16xf32> to vector<16xf32>
        %parallel_loop3A_335 = arith.addf %parallel_loop3A_327, %parallel_loop3A_334 : vector<16xf32>
        %parallel_loop3A_336 = arith.constant 0.000000e+00 : f32
        %parallel_loop3A_337 = vector.broadcast %parallel_loop3A_336 : f32 to vector<16xf32>
        %parallel_loop3A_338 = arith.cmpf ogt, %parallel_loop3A_335, %parallel_loop3A_337 : vector<16xf32>
        %parallel_loop3A_339 = arith.constant 1.000000e+00 : f32
        %parallel_loop3A_340 = arith.constant 0.000000e+00 : f32
        %parallel_loop3A_341 = vector.broadcast %parallel_loop3A_339 : f32 to vector<16xf32>
        %parallel_loop3A_342 = vector.broadcast %parallel_loop3A_340 : f32 to vector<16xf32>
        %parallel_loop3A_343 = arith.select %parallel_loop3A_338, %parallel_loop3A_341, %parallel_loop3A_342 : vector<16xi1>, vector<16xf32>
        %parallel_loop3A_344 = arith.constant 0 : i32
        %parallel_loop3A_345 = arith.constant 1 : i32
        %parallel_loop3A_346 = arith.index_cast %parallel_loop3A_344 : i32 to index
        %parallel_loop3A_347 = arith.index_cast %parallel_loop3A_345 : i32 to index
        %parallel_loop3A_348 = arith.index_cast %parallel_loop3A_320 : i32 to index
        %parallel_loop3A_349 = tpu.vector_load %arg6[%parallel_loop3A_346, %parallel_loop3A_347, %parallel_loop3A_348] {strides = array<i32>} : memref<2x8x2048xf32, #tpu.memory_space<vmem>>, vector<1x1x16xf32>,
        %parallel_loop3A_350 = vector.shape_cast %parallel_loop3A_349 : vector<1x1x16xf32> to vector<16xf32>
        %parallel_loop3A_351 = vector.shape_cast %parallel_loop3A_343 : vector<16xf32> to vector<1x1x16xf32>
        tpu.vector_store %arg6[%parallel_loop3A_346, %parallel_loop3A_347, %parallel_loop3A_348], %parallel_loop3A_351 {strides = array<i32>} : memref<2x8x2048xf32, #tpu.memory_space<vmem>>, vector<1x1x16xf32>,
      } {sc.loop_unroll_factor = 8 : i64, sc.parallel_access}
      %parallel_loop3A_176 = arith.constant 0 : i32
      %parallel_loop3A_177 = arith.constant 2048 : i32
      %parallel_loop3A_178 = arith.constant 16 : i32
      scf.for %parallel_loop3A_320 = %parallel_loop3A_176 to %parallel_loop3A_177 step %parallel_loop3A_178  : i32 {
        %parallel_loop3A_321 = arith.constant 0 : i32
        %parallel_loop3A_322 = arith.constant 2 : i32
        %parallel_loop3A_323 = arith.index_cast %parallel_loop3A_321 : i32 to index
        %parallel_loop3A_324 = arith.index_cast %parallel_loop3A_322 : i32 to index
        %parallel_loop3A_325 = arith.index_cast %parallel_loop3A_320 : i32 to index
        %parallel_loop3A_326 = tpu.vector_load %arg4[%parallel_loop3A_323, %parallel_loop3A_324, %parallel_loop3A_325] {strides = array<i32>} : memref<2x8x2048xf32, #tpu.memory_space<vmem>>, vector<1x1x16xf32>,
        %parallel_loop3A_327 = vector.shape_cast %parallel_loop3A_326 : vector<1x1x16xf32> to vector<16xf32>
        %parallel_loop3A_328 = arith.constant 0 : i32
        %parallel_loop3A_329 = arith.constant 2 : i32
        %parallel_loop3A_330 = arith.index_cast %parallel_loop3A_328 : i32 to index
        %parallel_loop3A_331 = arith.index_cast %parallel_loop3A_329 : i32 to index
        %parallel_loop3A_332 = arith.index_cast %parallel_loop3A_320 : i32 to index
        %parallel_loop3A_333 = tpu.vector_load %arg5[%parallel_loop3A_330, %parallel_loop3A_331, %parallel_loop3A_332] {strides = array<i32>} : memref<2x8x2048xf32, #tpu.memory_space<vmem>>, vector<1x1x16xf32>,
        %parallel_loop3A_334 = vector.shape_cast %parallel_loop3A_333 : vector<1x1x16xf32> to vector<16xf32>
        %parallel_loop3A_335 = arith.addf %parallel_loop3A_327, %parallel_loop3A_334 : vector<16xf32>
        %parallel_loop3A_336 = arith.constant 0.000000e+00 : f32
        %parallel_loop3A_337 = vector.broadcast %parallel_loop3A_336 : f32 to vector<16xf32>
        %parallel_loop3A_338 = arith.cmpf ogt, %parallel_loop3A_335, %parallel_loop3A_337 : vector<16xf32>
        %parallel_loop3A_339 = arith.constant 1.000000e+00 : f32
        %parallel_loop3A_340 = arith.constant 0.000000e+00 : f32
        %parallel_loop3A_341 = vector.broadcast %parallel_loop3A_339 : f32 to vector<16xf32>
        %parallel_loop3A_342 = vector.broadcast %parallel_loop3A_340 : f32 to vector<16xf32>
        %parallel_loop3A_343 = arith.select %parallel_loop3A_338, %parallel_loop3A_341, %parallel_loop3A_342 : vector<16xi1>, vector<16xf32>
        %parallel_loop3A_344 = arith.constant 0 : i32
        %parallel_loop3A_345 = arith.constant 2 : i32
        %parallel_loop3A_346 = arith.index_cast %parallel_loop3A_344 : i32 to index
        %parallel_loop3A_347 = arith.index_cast %parallel_loop3A_345 : i32 to index
        %parallel_loop3A_348 = arith.index_cast %parallel_loop3A_320 : i32 to index
        %parallel_loop3A_349 = tpu.vector_load %arg6[%parallel_loop3A_346, %parallel_loop3A_347, %parallel_loop3A_348] {strides = array<i32>} : memref<2x8x2048xf32, #tpu.memory_space<vmem>>, vector<1x1x16xf32>,
        %parallel_loop3A_350 = vector.shape_cast %parallel_loop3A_349 : vector<1x1x16xf32> to vector<16xf32>
        %parallel_loop3A_351 = vector.shape_cast %parallel_loop3A_343 : vector<16xf32> to vector<1x1x16xf32>
        tpu.vector_store %arg6[%parallel_loop3A_346, %parallel_loop3A_347, %parallel_loop3A_348], %parallel_loop3A_351 {strides = array<i32>} : memref<2x8x2048xf32, #tpu.memory_space<vmem>>, vector<1x1x16xf32>,
      } {sc.loop_unroll_factor = 8 : i64, sc.parallel_access}
      %parallel_loop3A_179 = arith.constant 0 : i32
      %parallel_loop3A_180 = arith.constant 2048 : i32
      %parallel_loop3A_181 = arith.constant 16 : i32
      scf.for %parallel_loop3A_320 = %parallel_loop3A_179 to %parallel_loop3A_180 step %parallel_loop3A_181  : i32 {
        %parallel_loop3A_321 = arith.constant 0 : i32
        %parallel_loop3A_322 = arith.constant 3 : i32
        %parallel_loop3A_323 = arith.index_cast %parallel_loop3A_321 : i32 to index
        %parallel_loop3A_324 = arith.index_cast %parallel_loop3A_322 : i32 to index
        %parallel_loop3A_325 = arith.index_cast %parallel_loop3A_320 : i32 to index
        %parallel_loop3A_326 = tpu.vector_load %arg4[%parallel_loop3A_323, %parallel_loop3A_324, %parallel_loop3A_325] {strides = array<i32>} : memref<2x8x2048xf32, #tpu.memory_space<vmem>>, vector<1x1x16xf32>,
        %parallel_loop3A_327 = vector.shape_cast %parallel_loop3A_326 : vector<1x1x16xf32> to vector<16xf32>
        %parallel_loop3A_328 = arith.constant 0 : i32
        %parallel_loop3A_329 = arith.constant 3 : i32
        %parallel_loop3A_330 = arith.index_cast %parallel_loop3A_328 : i32 to index
        %parallel_loop3A_331 = arith.index_cast %parallel_loop3A_329 : i32 to index
        %parallel_loop3A_332 = arith.index_cast %parallel_loop3A_320 : i32 to index
        %parallel_loop3A_333 = tpu.vector_load %arg5[%parallel_loop3A_330, %parallel_loop3A_331, %parallel_loop3A_332] {strides = array<i32>} : memref<2x8x2048xf32, #tpu.memory_space<vmem>>, vector<1x1x16xf32>,
        %parallel_loop3A_334 = vector.shape_cast %parallel_loop3A_333 : vector<1x1x16xf32> to vector<16xf32>
        %parallel_loop3A_335 = arith.addf %parallel_loop3A_327, %parallel_loop3A_334 : vector<16xf32>
        %parallel_loop3A_336 = arith.constant 0.000000e+00 : f32
        %parallel_loop3A_337 = vector.broadcast %parallel_loop3A_336 : f32 to vector<16xf32>
        %parallel_loop3A_338 = arith.cmpf ogt, %parallel_loop3A_335, %parallel_loop3A_337 : vector<16xf32>
        %parallel_loop3A_339 = arith.constant 1.000000e+00 : f32
        %parallel_loop3A_340 = arith.constant 0.000000e+00 : f32
        %parallel_loop3A_341 = vector.broadcast %parallel_loop3A_339 : f32 to vector<16xf32>
        %parallel_loop3A_342 = vector.broadcast %parallel_loop3A_340 : f32 to vector<16xf32>
        %parallel_loop3A_343 = arith.select %parallel_loop3A_338, %parallel_loop3A_341, %parallel_loop3A_342 : vector<16xi1>, vector<16xf32>
        %parallel_loop3A_344 = arith.constant 0 : i32
        %parallel_loop3A_345 = arith.constant 3 : i32
        %parallel_loop3A_346 = arith.index_cast %parallel_loop3A_344 : i32 to index
        %parallel_loop3A_347 = arith.index_cast %parallel_loop3A_345 : i32 to index
        %parallel_loop3A_348 = arith.index_cast %parallel_loop3A_320 : i32 to index
        %parallel_loop3A_349 = tpu.vector_load %arg6[%parallel_loop3A_346, %parallel_loop3A_347, %parallel_loop3A_348] {strides = array<i32>} : memref<2x8x2048xf32, #tpu.memory_space<vmem>>, vector<1x1x16xf32>,
        %parallel_loop3A_350 = vector.shape_cast %parallel_loop3A_349 : vector<1x1x16xf32> to vector<16xf32>
        %parallel_loop3A_351 = vector.shape_cast %parallel_loop3A_343 : vector<16xf32> to vector<1x1x16xf32>
        tpu.vector_store %arg6[%parallel_loop3A_346, %parallel_loop3A_347, %parallel_loop3A_348], %parallel_loop3A_351 {strides = array<i32>} : memref<2x8x2048xf32, #tpu.memory_space<vmem>>, vector<1x1x16xf32>,
      } {sc.loop_unroll_factor = 8 : i64, sc.parallel_access}
      %parallel_loop3A_182 = arith.constant 0 : i32
      %parallel_loop3A_183 = arith.constant 2048 : i32
      %parallel_loop3A_184 = arith.constant 16 : i32
      scf.for %parallel_loop3A_320 = %parallel_loop3A_182 to %parallel_loop3A_183 step %parallel_loop3A_184  : i32 {
        %parallel_loop3A_321 = arith.constant 0 : i32
        %parallel_loop3A_322 = arith.constant 4 : i32
        %parallel_loop3A_323 = arith.index_cast %parallel_loop3A_321 : i32 to index
        %parallel_loop3A_324 = arith.index_cast %parallel_loop3A_322 : i32 to index
        %parallel_loop3A_325 = arith.index_cast %parallel_loop3A_320 : i32 to index
        %parallel_loop3A_326 = tpu.vector_load %arg4[%parallel_loop3A_323, %parallel_loop3A_324, %parallel_loop3A_325] {strides = array<i32>} : memref<2x8x2048xf32, #tpu.memory_space<vmem>>, vector<1x1x16xf32>,
        %parallel_loop3A_327 = vector.shape_cast %parallel_loop3A_326 : vector<1x1x16xf32> to vector<16xf32>
        %parallel_loop3A_328 = arith.constant 0 : i32
        %parallel_loop3A_329 = arith.constant 4 : i32
        %parallel_loop3A_330 = arith.index_cast %parallel_loop3A_328 : i32 to index
        %parallel_loop3A_331 = arith.index_cast %parallel_loop3A_329 : i32 to index
        %parallel_loop3A_332 = arith.index_cast %parallel_loop3A_320 : i32 to index
        %parallel_loop3A_333 = tpu.vector_load %arg5[%parallel_loop3A_330, %parallel_loop3A_331, %parallel_loop3A_332] {strides = array<i32>} : memref<2x8x2048xf32, #tpu.memory_space<vmem>>, vector<1x1x16xf32>,
        %parallel_loop3A_334 = vector.shape_cast %parallel_loop3A_333 : vector<1x1x16xf32> to vector<16xf32>
        %parallel_loop3A_335 = arith.addf %parallel_loop3A_327, %parallel_loop3A_334 : vector<16xf32>
        %parallel_loop3A_336 = arith.constant 0.000000e+00 : f32
        %parallel_loop3A_337 = vector.broadcast %parallel_loop3A_336 : f32 to vector<16xf32>
        %parallel_loop3A_338 = arith.cmpf ogt, %parallel_loop3A_335, %parallel_loop3A_337 : vector<16xf32>
        %parallel_loop3A_339 = arith.constant 1.000000e+00 : f32
        %parallel_loop3A_340 = arith.constant 0.000000e+00 : f32
        %parallel_loop3A_341 = vector.broadcast %parallel_loop3A_339 : f32 to vector<16xf32>
        %parallel_loop3A_342 = vector.broadcast %parallel_loop3A_340 : f32 to vector<16xf32>
        %parallel_loop3A_343 = arith.select %parallel_loop3A_338, %parallel_loop3A_341, %parallel_loop3A_342 : vector<16xi1>, vector<16xf32>
        %parallel_loop3A_344 = arith.constant 0 : i32
        %parallel_loop3A_345 = arith.constant 4 : i32
        %parallel_loop3A_346 = arith.index_cast %parallel_loop3A_344 : i32 to index
        %parallel_loop3A_347 = arith.index_cast %parallel_loop3A_345 : i32 to index
        %parallel_loop3A_348 = arith.index_cast %parallel_loop3A_320 : i32 to index
        %parallel_loop3A_349 = tpu.vector_load %arg6[%parallel_loop3A_346, %parallel_loop3A_347, %parallel_loop3A_348] {strides = array<i32>} : memref<2x8x2048xf32, #tpu.memory_space<vmem>>, vector<1x1x16xf32>,
        %parallel_loop3A_350 = vector.shape_cast %parallel_loop3A_349 : vector<1x1x16xf32> to vector<16xf32>
        %parallel_loop3A_351 = vector.shape_cast %parallel_loop3A_343 : vector<16xf32> to vector<1x1x16xf32>
        tpu.vector_store %arg6[%parallel_loop3A_346, %parallel_loop3A_347, %parallel_loop3A_348], %parallel_loop3A_351 {strides = array<i32>} : memref<2x8x2048xf32, #tpu.memory_space<vmem>>, vector<1x1x16xf32>,
      } {sc.loop_unroll_factor = 8 : i64, sc.parallel_access}
      %parallel_loop3A_185 = arith.constant 0 : i32
      %parallel_loop3A_186 = arith.constant 2048 : i32
      %parallel_loop3A_187 = arith.constant 16 : i32
      scf.for %parallel_loop3A_320 = %parallel_loop3A_185 to %parallel_loop3A_186 step %parallel_loop3A_187  : i32 {
        %parallel_loop3A_321 = arith.constant 0 : i32
        %parallel_loop3A_322 = arith.constant 5 : i32
        %parallel_loop3A_323 = arith.index_cast %parallel_loop3A_321 : i32 to index
        %parallel_loop3A_324 = arith.index_cast %parallel_loop3A_322 : i32 to index
        %parallel_loop3A_325 = arith.index_cast %parallel_loop3A_320 : i32 to index
        %parallel_loop3A_326 = tpu.vector_load %arg4[%parallel_loop3A_323, %parallel_loop3A_324, %parallel_loop3A_325] {strides = array<i32>} : memref<2x8x2048xf32, #tpu.memory_space<vmem>>, vector<1x1x16xf32>,
        %parallel_loop3A_327 = vector.shape_cast %parallel_loop3A_326 : vector<1x1x16xf32> to vector<16xf32>
        %parallel_loop3A_328 = arith.constant 0 : i32
        %parallel_loop3A_329 = arith.constant 5 : i32
        %parallel_loop3A_330 = arith.index_cast %parallel_loop3A_328 : i32 to index
        %parallel_loop3A_331 = arith.index_cast %parallel_loop3A_329 : i32 to index
        %parallel_loop3A_332 = arith.index_cast %parallel_loop3A_320 : i32 to index
        %parallel_loop3A_333 = tpu.vector_load %arg5[%parallel_loop3A_330, %parallel_loop3A_331, %parallel_loop3A_332] {strides = array<i32>} : memref<2x8x2048xf32, #tpu.memory_space<vmem>>, vector<1x1x16xf32>,
        %parallel_loop3A_334 = vector.shape_cast %parallel_loop3A_333 : vector<1x1x16xf32> to vector<16xf32>
        %parallel_loop3A_335 = arith.addf %parallel_loop3A_327, %parallel_loop3A_334 : vector<16xf32>
        %parallel_loop3A_336 = arith.constant 0.000000e+00 : f32
        %parallel_loop3A_337 = vector.broadcast %parallel_loop3A_336 : f32 to vector<16xf32>
        %parallel_loop3A_338 = arith.cmpf ogt, %parallel_loop3A_335, %parallel_loop3A_337 : vector<16xf32>
        %parallel_loop3A_339 = arith.constant 1.000000e+00 : f32
        %parallel_loop3A_340 = arith.constant 0.000000e+00 : f32
        %parallel_loop3A_341 = vector.broadcast %parallel_loop3A_339 : f32 to vector<16xf32>
        %parallel_loop3A_342 = vector.broadcast %parallel_loop3A_340 : f32 to vector<16xf32>
        %parallel_loop3A_343 = arith.select %parallel_loop3A_338, %parallel_loop3A_341, %parallel_loop3A_342 : vector<16xi1>, vector<16xf32>
        %parallel_loop3A_344 = arith.constant 0 : i32
        %parallel_loop3A_345 = arith.constant 5 : i32
        %parallel_loop3A_346 = arith.index_cast %parallel_loop3A_344 : i32 to index
        %parallel_loop3A_347 = arith.index_cast %parallel_loop3A_345 : i32 to index
        %parallel_loop3A_348 = arith.index_cast %parallel_loop3A_320 : i32 to index
        %parallel_loop3A_349 = tpu.vector_load %arg6[%parallel_loop3A_346, %parallel_loop3A_347, %parallel_loop3A_348] {strides = array<i32>} : memref<2x8x2048xf32, #tpu.memory_space<vmem>>, vector<1x1x16xf32>,
        %parallel_loop3A_350 = vector.shape_cast %parallel_loop3A_349 : vector<1x1x16xf32> to vector<16xf32>
        %parallel_loop3A_351 = vector.shape_cast %parallel_loop3A_343 : vector<16xf32> to vector<1x1x16xf32>
        tpu.vector_store %arg6[%parallel_loop3A_346, %parallel_loop3A_347, %parallel_loop3A_348], %parallel_loop3A_351 {strides = array<i32>} : memref<2x8x2048xf32, #tpu.memory_space<vmem>>, vector<1x1x16xf32>,
      } {sc.loop_unroll_factor = 8 : i64, sc.parallel_access}
      %parallel_loop3A_188 = arith.constant 0 : i32
      %parallel_loop3A_189 = arith.constant 2048 : i32
      %parallel_loop3A_190 = arith.constant 16 : i32
      scf.for %parallel_loop3A_320 = %parallel_loop3A_188 to %parallel_loop3A_189 step %parallel_loop3A_190  : i32 {
        %parallel_loop3A_321 = arith.constant 0 : i32
        %parallel_loop3A_322 = arith.constant 6 : i32
        %parallel_loop3A_323 = arith.index_cast %parallel_loop3A_321 : i32 to index
        %parallel_loop3A_324 = arith.index_cast %parallel_loop3A_322 : i32 to index
        %parallel_loop3A_325 = arith.index_cast %parallel_loop3A_320 : i32 to index
        %parallel_loop3A_326 = tpu.vector_load %arg4[%parallel_loop3A_323, %parallel_loop3A_324, %parallel_loop3A_325] {strides = array<i32>} : memref<2x8x2048xf32, #tpu.memory_space<vmem>>, vector<1x1x16xf32>,
        %parallel_loop3A_327 = vector.shape_cast %parallel_loop3A_326 : vector<1x1x16xf32> to vector<16xf32>
        %parallel_loop3A_328 = arith.constant 0 : i32
        %parallel_loop3A_329 = arith.constant 6 : i32
        %parallel_loop3A_330 = arith.index_cast %parallel_loop3A_328 : i32 to index
        %parallel_loop3A_331 = arith.index_cast %parallel_loop3A_329 : i32 to index
        %parallel_loop3A_332 = arith.index_cast %parallel_loop3A_320 : i32 to index
        %parallel_loop3A_333 = tpu.vector_load %arg5[%parallel_loop3A_330, %parallel_loop3A_331, %parallel_loop3A_332] {strides = array<i32>} : memref<2x8x2048xf32, #tpu.memory_space<vmem>>, vector<1x1x16xf32>,
        %parallel_loop3A_334 = vector.shape_cast %parallel_loop3A_333 : vector<1x1x16xf32> to vector<16xf32>
        %parallel_loop3A_335 = arith.addf %parallel_loop3A_327, %parallel_loop3A_334 : vector<16xf32>
        %parallel_loop3A_336 = arith.constant 0.000000e+00 : f32
        %parallel_loop3A_337 = vector.broadcast %parallel_loop3A_336 : f32 to vector<16xf32>
        %parallel_loop3A_338 = arith.cmpf ogt, %parallel_loop3A_335, %parallel_loop3A_337 : vector<16xf32>
        %parallel_loop3A_339 = arith.constant 1.000000e+00 : f32
        %parallel_loop3A_340 = arith.constant 0.000000e+00 : f32
        %parallel_loop3A_341 = vector.broadcast %parallel_loop3A_339 : f32 to vector<16xf32>
        %parallel_loop3A_342 = vector.broadcast %parallel_loop3A_340 : f32 to vector<16xf32>
        %parallel_loop3A_343 = arith.select %parallel_loop3A_338, %parallel_loop3A_341, %parallel_loop3A_342 : vector<16xi1>, vector<16xf32>
        %parallel_loop3A_344 = arith.constant 0 : i32
        %parallel_loop3A_345 = arith.constant 6 : i32
        %parallel_loop3A_346 = arith.index_cast %parallel_loop3A_344 : i32 to index
        %parallel_loop3A_347 = arith.index_cast %parallel_loop3A_345 : i32 to index
        %parallel_loop3A_348 = arith.index_cast %parallel_loop3A_320 : i32 to index
        %parallel_loop3A_349 = tpu.vector_load %arg6[%parallel_loop3A_346, %parallel_loop3A_347, %parallel_loop3A_348] {strides = array<i32>} : memref<2x8x2048xf32, #tpu.memory_space<vmem>>, vector<1x1x16xf32>,
        %parallel_loop3A_350 = vector.shape_cast %parallel_loop3A_349 : vector<1x1x16xf32> to vector<16xf32>
        %parallel_loop3A_351 = vector.shape_cast %parallel_loop3A_343 : vector<16xf32> to vector<1x1x16xf32>
        tpu.vector_store %arg6[%parallel_loop3A_346, %parallel_loop3A_347, %parallel_loop3A_348], %parallel_loop3A_351 {strides = array<i32>} : memref<2x8x2048xf32, #tpu.memory_space<vmem>>, vector<1x1x16xf32>,
      } {sc.loop_unroll_factor = 8 : i64, sc.parallel_access}
      %parallel_loop3A_191 = arith.constant 0 : i32
      %parallel_loop3A_192 = arith.constant 2048 : i32
      %parallel_loop3A_193 = arith.constant 16 : i32
      scf.for %parallel_loop3A_320 = %parallel_loop3A_191 to %parallel_loop3A_192 step %parallel_loop3A_193  : i32 {
        %parallel_loop3A_321 = arith.constant 0 : i32
        %parallel_loop3A_322 = arith.constant 7 : i32
        %parallel_loop3A_323 = arith.index_cast %parallel_loop3A_321 : i32 to index
        %parallel_loop3A_324 = arith.index_cast %parallel_loop3A_322 : i32 to index
        %parallel_loop3A_325 = arith.index_cast %parallel_loop3A_320 : i32 to index
        %parallel_loop3A_326 = tpu.vector_load %arg4[%parallel_loop3A_323, %parallel_loop3A_324, %parallel_loop3A_325] {strides = array<i32>} : memref<2x8x2048xf32, #tpu.memory_space<vmem>>, vector<1x1x16xf32>,
        %parallel_loop3A_327 = vector.shape_cast %parallel_loop3A_326 : vector<1x1x16xf32> to vector<16xf32>
        %parallel_loop3A_328 = arith.constant 0 : i32
        %parallel_loop3A_329 = arith.constant 7 : i32
        %parallel_loop3A_330 = arith.index_cast %parallel_loop3A_328 : i32 to index
        %parallel_loop3A_331 = arith.index_cast %parallel_loop3A_329 : i32 to index
        %parallel_loop3A_332 = arith.index_cast %parallel_loop3A_320 : i32 to index
        %parallel_loop3A_333 = tpu.vector_load %arg5[%parallel_loop3A_330, %parallel_loop3A_331, %parallel_loop3A_332] {strides = array<i32>} : memref<2x8x2048xf32, #tpu.memory_space<vmem>>, vector<1x1x16xf32>,
        %parallel_loop3A_334 = vector.shape_cast %parallel_loop3A_333 : vector<1x1x16xf32> to vector<16xf32>
        %parallel_loop3A_335 = arith.addf %parallel_loop3A_327, %parallel_loop3A_334 : vector<16xf32>
        %parallel_loop3A_336 = arith.constant 0.000000e+00 : f32
        %parallel_loop3A_337 = vector.broadcast %parallel_loop3A_336 : f32 to vector<16xf32>
        %parallel_loop3A_338 = arith.cmpf ogt, %parallel_loop3A_335, %parallel_loop3A_337 : vector<16xf32>
        %parallel_loop3A_339 = arith.constant 1.000000e+00 : f32
        %parallel_loop3A_340 = arith.constant 0.000000e+00 : f32
        %parallel_loop3A_341 = vector.broadcast %parallel_loop3A_339 : f32 to vector<16xf32>
        %parallel_loop3A_342 = vector.broadcast %parallel_loop3A_340 : f32 to vector<16xf32>
        %parallel_loop3A_343 = arith.select %parallel_loop3A_338, %parallel_loop3A_341, %parallel_loop3A_342 : vector<16xi1>, vector<16xf32>
        %parallel_loop3A_344 = arith.constant 0 : i32
        %parallel_loop3A_345 = arith.constant 7 : i32
        %parallel_loop3A_346 = arith.index_cast %parallel_loop3A_344 : i32 to index
        %parallel_loop3A_347 = arith.index_cast %parallel_loop3A_345 : i32 to index
        %parallel_loop3A_348 = arith.index_cast %parallel_loop3A_320 : i32 to index
        %parallel_loop3A_349 = tpu.vector_load %arg6[%parallel_loop3A_346, %parallel_loop3A_347, %parallel_loop3A_348] {strides = array<i32>} : memref<2x8x2048xf32, #tpu.memory_space<vmem>>, vector<1x1x16xf32>,
        %parallel_loop3A_350 = vector.shape_cast %parallel_loop3A_349 : vector<1x1x16xf32> to vector<16xf32>
        %parallel_loop3A_351 = vector.shape_cast %parallel_loop3A_343 : vector<16xf32> to vector<1x1x16xf32>
        tpu.vector_store %arg6[%parallel_loop3A_346, %parallel_loop3A_347, %parallel_loop3A_348], %parallel_loop3A_351 {strides = array<i32>} : memref<2x8x2048xf32, #tpu.memory_space<vmem>>, vector<1x1x16xf32>,
      } {sc.loop_unroll_factor = 8 : i64, sc.parallel_access}
      %mul3A_194 = arith.constant 8 : i32
      %mul3A_195 = arith.muli %add3A_126, %mul3A_194 : i32
      %add3A_196 = arith.addi %mul3A_2, %mul3A_195 : i32
      %dma_start3A_197 = arith.constant 0 : i32
      %dma_start3A_198 = arith.constant 0 : i32
      %dma_start3A_199 = arith.constant 0 : i32
      %dma_start3A_200 = arith.constant 0 : i32
      %dma_start3A_201 = tpu.memref_slice %arg6[%dma_start3A_197, %dma_start3A_199, %dma_start3A_200] : memref<2x8x2048xf32, #tpu.memory_space<vmem>> -> memref<1x8x2048xf32, #tpu.memory_space<vmem>>
      %dma_start3A_202 = tpu.memref_squeeze %dma_start3A_201 : memref<1x8x2048xf32, #tpu.memory_space<vmem>> -> memref<8x2048xf32, #tpu.memory_space<vmem>>
      %dma_start3A_203 = arith.constant 0 : i32
      %dma_start3A_204 = tpu.memref_slice %arg3[%add3A_196, %dma_start3A_203] : memref<1536x2048xf32, #tpu.memory_space<hbm>> -> memref<8x2048xf32, #tpu.memory_space<hbm>>
      %dma_start3A_205 = tpu.memref_slice %arg8[%dma_start3A_198] : memref<2x!tpu.dma_semaphore, #tpu.memory_space<semaphore_mem>> -> memref<1x!tpu.dma_semaphore, #tpu.memory_space<semaphore_mem>>
      %dma_start3A_206 = tpu.memref_squeeze %dma_start3A_205 : memref<1x!tpu.dma_semaphore, #tpu.memory_space<semaphore_mem>> -> memref<!tpu.dma_semaphore, #tpu.memory_space<semaphore_mem>>
      %dma_start3A_207 = arith.constant 0 : i32
      %dma_start3A_208 = tpu.memref_slice %arg3[%add3A_196, %dma_start3A_207] : memref<1536x2048xf32, #tpu.memory_space<hbm>> -> memref<8x2048xf32, #tpu.memory_space<hbm>>
      %dma_start3A_209 = arith.constant 0 : i32
      %dma_start3A_210 = arith.constant 0 : i32
      %dma_start3A_211 = tpu.memref_slice %arg6[%dma_start3A_197, %dma_start3A_209, %dma_start3A_210] : memref<2x8x2048xf32, #tpu.memory_space<vmem>> -> memref<1x8x2048xf32, #tpu.memory_space<vmem>>
      %dma_start3A_212 = tpu.memref_squeeze %dma_start3A_211 : memref<1x8x2048xf32, #tpu.memory_space<vmem>> -> memref<8x2048xf32, #tpu.memory_space<vmem>>
      tpu.enqueue_dma source(%dma_start3A_212 : memref<8x2048xf32, #tpu.memory_space<vmem>>) target(%dma_start3A_208 : memref<8x2048xf32, #tpu.memory_space<hbm>>) target_semaphore(%dma_start3A_206 : memref<!tpu.dma_semaphore, #tpu.memory_space<semaphore_mem>>)
      %add3A_213 = arith.constant 2 : i32
      %add3A_214 = arith.addi %add3A_126, %add3A_213 : i32
      %lt3A = arith.constant 6 : i32
      %lt3A_215 = arith.cmpi slt, %add3A_214, %lt3A : i32
      %convert_element_type3A_216 = arith.extui %lt3A_215 : i1 to i32
      %cond3A_217 = arith.constant 0 : i32
      %cond3A_218 = arith.cmpi ne, %convert_element_type3A_216, %cond3A_217 : i32
      scf.if %cond3A_218 {
        %add3A_320 = arith.constant 2 : i32
        %add3A_321 = arith.addi %add3A_126, %add3A_320 : i32
        %add3A_322 = arith.constant 2560 : i32
        %add3A_323 = arith.addi %add3A_322, %mul3A_2 : i32
        %mul3A_324 = arith.constant 8 : i32
        %mul3A_325 = arith.muli %add3A_321, %mul3A_324 : i32
        %add3A_326 = arith.addi %add3A_323, %mul3A_325 : i32
        %dma_start3A_327 = arith.constant 0 : i32
        %dma_start3A_328 = arith.constant 0 : i32
        %dma_start3A_329 = arith.constant 0 : i32
        %dma_start3A_330 = arith.constant 0 : i32
        %dma_start3A_331 = arith.constant 0 : i32
        %dma_start3A_332 = tpu.memref_slice %arg4[%dma_start3A_328, %dma_start3A_330, %dma_start3A_331] : memref<2x8x2048xf32, #tpu.memory_space<vmem>> -> memref<1x8x2048xf32, #tpu.memory_space<vmem>>
        %dma_start3A_333 = tpu.memref_squeeze %dma_start3A_332 : memref<1x8x2048xf32, #tpu.memory_space<vmem>> -> memref<8x2048xf32, #tpu.memory_space<vmem>>
        %dma_start3A_334 = arith.constant 0 : i32
        %dma_start3A_335 = tpu.memref_slice %arg2[%dma_start3A_327, %add3A_326, %dma_start3A_334] : memref<2x4096x2048xf32, #tpu.memory_space<hbm>> -> memref<1x8x2048xf32, #tpu.memory_space<hbm>>
        %dma_start3A_336 = tpu.memref_squeeze %dma_start3A_335 : memref<1x8x2048xf32, #tpu.memory_space<hbm>> -> memref<8x2048xf32, #tpu.memory_space<hbm>>
        %dma_start3A_337 = tpu.memref_slice %arg7[%dma_start3A_329] : memref<2x!tpu.dma_semaphore, #tpu.memory_space<semaphore_mem>> -> memref<1x!tpu.dma_semaphore, #tpu.memory_space<semaphore_mem>>
        %dma_start3A_338 = tpu.memref_squeeze %dma_start3A_337 : memref<1x!tpu.dma_semaphore, #tpu.memory_space<semaphore_mem>> -> memref<!tpu.dma_semaphore, #tpu.memory_space<semaphore_mem>>
        %dma_start3A_339 = arith.constant 0 : i32
        %dma_start3A_340 = arith.constant 0 : i32
        %dma_start3A_341 = tpu.memref_slice %arg4[%dma_start3A_328, %dma_start3A_339, %dma_start3A_340] : memref<2x8x2048xf32, #tpu.memory_space<vmem>> -> memref<1x8x2048xf32, #tpu.memory_space<vmem>>
        %dma_start3A_342 = tpu.memref_squeeze %dma_start3A_341 : memref<1x8x2048xf32, #tpu.memory_space<vmem>> -> memref<8x2048xf32, #tpu.memory_space<vmem>>
        %dma_start3A_343 = arith.constant 0 : i32
        %dma_start3A_344 = tpu.memref_slice %arg2[%dma_start3A_327, %add3A_326, %dma_start3A_343] : memref<2x4096x2048xf32, #tpu.memory_space<hbm>> -> memref<1x8x2048xf32, #tpu.memory_space<hbm>>
        %dma_start3A_345 = tpu.memref_squeeze %dma_start3A_344 : memref<1x8x2048xf32, #tpu.memory_space<hbm>> -> memref<8x2048xf32, #tpu.memory_space<hbm>>
        tpu.enqueue_dma source(%dma_start3A_345 : memref<8x2048xf32, #tpu.memory_space<hbm>>) target(%dma_start3A_342 : memref<8x2048xf32, #tpu.memory_space<vmem>>) target_semaphore(%dma_start3A_338 : memref<!tpu.dma_semaphore, #tpu.memory_space<semaphore_mem>>)
        %dma_start3A_346 = arith.constant 1 : i32
        %dma_start3A_347 = arith.constant 0 : i32
        %dma_start3A_348 = arith.constant 0 : i32
        %dma_start3A_349 = arith.constant 0 : i32
        %dma_start3A_350 = arith.constant 0 : i32
        %dma_start3A_351 = tpu.memref_slice %arg5[%dma_start3A_347, %dma_start3A_349, %dma_start3A_350] : memref<2x8x2048xf32, #tpu.memory_space<vmem>> -> memref<1x8x2048xf32, #tpu.memory_space<vmem>>
        %dma_start3A_352 = tpu.memref_squeeze %dma_start3A_351 : memref<1x8x2048xf32, #tpu.memory_space<vmem>> -> memref<8x2048xf32, #tpu.memory_space<vmem>>
        %dma_start3A_353 = arith.constant 0 : i32
        %dma_start3A_354 = tpu.memref_slice %arg2[%dma_start3A_346, %add3A_326, %dma_start3A_353] : memref<2x4096x2048xf32, #tpu.memory_space<hbm>> -> memref<1x8x2048xf32, #tpu.memory_space<hbm>>
        %dma_start3A_355 = tpu.memref_squeeze %dma_start3A_354 : memref<1x8x2048xf32, #tpu.memory_space<hbm>> -> memref<8x2048xf32, #tpu.memory_space<hbm>>
        %dma_start3A_356 = tpu.memref_slice %arg7[%dma_start3A_348] : memref<2x!tpu.dma_semaphore, #tpu.memory_space<semaphore_mem>> -> memref<1x!tpu.dma_semaphore, #tpu.memory_space<semaphore_mem>>
        %dma_start3A_357 = tpu.memref_squeeze %dma_start3A_356 : memref<1x!tpu.dma_semaphore, #tpu.memory_space<semaphore_mem>> -> memref<!tpu.dma_semaphore, #tpu.memory_space<semaphore_mem>>
        %dma_start3A_358 = arith.constant 0 : i32
        %dma_start3A_359 = arith.constant 0 : i32
        %dma_start3A_360 = tpu.memref_slice %arg5[%dma_start3A_347, %dma_start3A_358, %dma_start3A_359] : memref<2x8x2048xf32, #tpu.memory_space<vmem>> -> memref<1x8x2048xf32, #tpu.memory_space<vmem>>
        %dma_start3A_361 = tpu.memref_squeeze %dma_start3A_360 : memref<1x8x2048xf32, #tpu.memory_space<vmem>> -> memref<8x2048xf32, #tpu.memory_space<vmem>>
        %dma_start3A_362 = arith.constant 0 : i32
        %dma_start3A_363 = tpu.memref_slice %arg2[%dma_start3A_346, %add3A_326, %dma_start3A_362] : memref<2x4096x2048xf32, #tpu.memory_space<hbm>> -> memref<1x8x2048xf32, #tpu.memory_space<hbm>>
        %dma_start3A_364 = tpu.memref_squeeze %dma_start3A_363 : memref<1x8x2048xf32, #tpu.memory_space<hbm>> -> memref<8x2048xf32, #tpu.memory_space<hbm>>
        tpu.enqueue_dma source(%dma_start3A_364 : memref<8x2048xf32, #tpu.memory_space<hbm>>) target(%dma_start3A_361 : memref<8x2048xf32, #tpu.memory_space<vmem>>) target_semaphore(%dma_start3A_357 : memref<!tpu.dma_semaphore, #tpu.memory_space<semaphore_mem>>)
      } else {
      }
      %mul3A_219 = arith.constant 2 : i32
      %mul3A_220 = arith.muli %scan3A_122, %mul3A_219 : i32
      %add3A_221 = arith.constant 1 : i32
      %add3A_222 = arith.addi %mul3A_220, %add3A_221 : i32
      %dma_wait3A_223 = arith.constant 0 : i32
      %dma_wait3A_224 = arith.constant 1 : i32
      %dma_wait3A_225 = arith.constant 1 : i32
      %dma_wait3A_226 = arith.constant 0 : i32
      %dma_wait3A_227 = arith.constant 0 : i32
      %dma_wait3A_228 = tpu.memref_slice %arg4[%dma_wait3A_224, %dma_wait3A_226, %dma_wait3A_227] : memref<2x8x2048xf32, #tpu.memory_space<vmem>> -> memref<1x8x2048xf32, #tpu.memory_space<vmem>>
      %dma_wait3A_229 = tpu.memref_squeeze %dma_wait3A_228 : memref<1x8x2048xf32, #tpu.memory_space<vmem>> -> memref<8x2048xf32, #tpu.memory_space<vmem>>
      %dma_wait3A_230 = arith.constant 2560 : i32
      %dma_wait3A_231 = arith.constant 0 : i32
      %dma_wait3A_232 = tpu.memref_slice %arg2[%dma_wait3A_223, %dma_wait3A_230, %dma_wait3A_231] : memref<2x4096x2048xf32, #tpu.memory_space<hbm>> -> memref<1x8x2048xf32, #tpu.memory_space<hbm>>
      %dma_wait3A_233 = tpu.memref_squeeze %dma_wait3A_232 : memref<1x8x2048xf32, #tpu.memory_space<hbm>> -> memref<8x2048xf32, #tpu.memory_space<hbm>>
      %dma_wait3A_234 = tpu.memref_slice %arg7[%dma_wait3A_225] : memref<2x!tpu.dma_semaphore, #tpu.memory_space<semaphore_mem>> -> memref<1x!tpu.dma_semaphore, #tpu.memory_space<semaphore_mem>>
      %dma_wait3A_235 = tpu.memref_squeeze %dma_wait3A_234 : memref<1x!tpu.dma_semaphore, #tpu.memory_space<semaphore_mem>> -> memref<!tpu.dma_semaphore, #tpu.memory_space<semaphore_mem>>
      %dma_wait3A_236 = arith.constant 0 : i32
      %dma_wait3A_237 = arith.constant 0 : i32
      %dma_wait3A_238 = tpu.memref_slice %arg4[%dma_wait3A_224, %dma_wait3A_236, %dma_wait3A_237] : memref<2x8x2048xf32, #tpu.memory_space<vmem>> -> memref<1x8x2048xf32, #tpu.memory_space<vmem>>
      %dma_wait3A_239 = tpu.memref_squeeze %dma_wait3A_238 : memref<1x8x2048xf32, #tpu.memory_space<vmem>> -> memref<8x2048xf32, #tpu.memory_space<vmem>>
      %dma_wait3A_240 = arith.constant 2560 : i32
      %dma_wait3A_241 = arith.constant 0 : i32
      %dma_wait3A_242 = tpu.memref_slice %arg2[%dma_wait3A_223, %dma_wait3A_240, %dma_wait3A_241] : memref<2x4096x2048xf32, #tpu.memory_space<hbm>> -> memref<1x8x2048xf32, #tpu.memory_space<hbm>>
      %dma_wait3A_243 = tpu.memref_squeeze %dma_wait3A_242 : memref<1x8x2048xf32, #tpu.memory_space<hbm>> -> memref<8x2048xf32, #tpu.memory_space<hbm>>
      tpu.wait_dma2 semaphore(%dma_wait3A_235 : memref<!tpu.dma_semaphore, #tpu.memory_space<semaphore_mem>>) src(%dma_wait3A_243 : memref<8x2048xf32, #tpu.memory_space<hbm>>) dst(%dma_wait3A_239 : memref<8x2048xf32, #tpu.memory_space<vmem>>)
      %dma_wait3A_244 = arith.constant 0 : i32
      %dma_wait3A_245 = arith.constant 1 : i32
      %dma_wait3A_246 = arith.constant 1 : i32
      %dma_wait3A_247 = arith.constant 0 : i32
      %dma_wait3A_248 = arith.constant 0 : i32
      %dma_wait3A_249 = tpu.memref_slice %arg5[%dma_wait3A_245, %dma_wait3A_247, %dma_wait3A_248] : memref<2x8x2048xf32, #tpu.memory_space<vmem>> -> memref<1x8x2048xf32, #tpu.memory_space<vmem>>
      %dma_wait3A_250 = tpu.memref_squeeze %dma_wait3A_249 : memref<1x8x2048xf32, #tpu.memory_space<vmem>> -> memref<8x2048xf32, #tpu.memory_space<vmem>>
      %dma_wait3A_251 = arith.constant 2560 : i32
      %dma_wait3A_252 = arith.constant 0 : i32
      %dma_wait3A_253 = tpu.memref_slice %arg2[%dma_wait3A_244, %dma_wait3A_251, %dma_wait3A_252] : memref<2x4096x2048xf32, #tpu.memory_space<hbm>> -> memref<1x8x2048xf32, #tpu.memory_space<hbm>>
      %dma_wait3A_254 = tpu.memref_squeeze %dma_wait3A_253 : memref<1x8x2048xf32, #tpu.memory_space<hbm>> -> memref<8x2048xf32, #tpu.memory_space<hbm>>
      %dma_wait3A_255 = tpu.memref_slice %arg7[%dma_wait3A_246] : memref<2x!tpu.dma_semaphore, #tpu.memory_space<semaphore_mem>> -> memref<1x!tpu.dma_semaphore, #tpu.memory_space<semaphore_mem>>
      %dma_wait3A_256 = tpu.memref_squeeze %dma_wait3A_255 : memref<1x!tpu.dma_semaphore, #tpu.memory_space<semaphore_mem>> -> memref<!tpu.dma_semaphore, #tpu.memory_space<semaphore_mem>>
      %dma_wait3A_257 = arith.constant 0 : i32
      %dma_wait3A_258 = arith.constant 0 : i32
      %dma_wait3A_259 = tpu.memref_slice %arg5[%dma_wait3A_245, %dma_wait3A_257, %dma_wait3A_258] : memref<2x8x2048xf32, #tpu.memory_space<vmem>> -> memref<1x8x2048xf32, #tpu.memory_space<vmem>>
      %dma_wait3A_260 = tpu.memref_squeeze %dma_wait3A_259 : memref<1x8x2048xf32, #tpu.memory_space<vmem>> -> memref<8x2048xf32, #tpu.memory_space<vmem>>
      %dma_wait3A_261 = arith.constant 2560 : i32
      %dma_wait3A_262 = arith.constant 0 : i32
      %dma_wait3A_263 = tpu.memref_slice %arg2[%dma_wait3A_244, %dma_wait3A_261, %dma_wait3A_262] : memref<2x4096x2048xf32, #tpu.memory_space<hbm>> -> memref<1x8x2048xf32, #tpu.memory_space<hbm>>
      %dma_wait3A_264 = tpu.memref_squeeze %dma_wait3A_263 : memref<1x8x2048xf32, #tpu.memory_space<hbm>> -> memref<8x2048xf32, #tpu.memory_space<hbm>>
      tpu.wait_dma2 semaphore(%dma_wait3A_256 : memref<!tpu.dma_semaphore, #tpu.memory_space<semaphore_mem>>) src(%dma_wait3A_264 : memref<8x2048xf32, #tpu.memory_space<hbm>>) dst(%dma_wait3A_260 : memref<8x2048xf32, #tpu.memory_space<vmem>>)
      %gt3A_265 = arith.constant 0 : i32
      %gt3A_266 = arith.cmpi sgt, %scan3A_122, %gt3A_265 : i32
      %convert_element_type3A_267 = arith.extui %gt3A_266 : i1 to i32
      %cond3A_268 = arith.constant 0 : i32
      %cond3A_269 = arith.cmpi ne, %convert_element_type3A_267, %cond3A_268 : i32
      scf.if %cond3A_269 {
        %dma_wait3A_320 = arith.constant 1 : i32
        %dma_wait3A_321 = arith.constant 1 : i32
        %dma_wait3A_322 = arith.constant 0 : i32
        %dma_wait3A_323 = arith.constant 0 : i32
        %dma_wait3A_324 = tpu.memref_slice %arg6[%dma_wait3A_320, %dma_wait3A_322, %dma_wait3A_323] : memref<2x8x2048xf32, #tpu.memory_space<vmem>> -> memref<1x8x2048xf32, #tpu.memory_space<vmem>>
        %dma_wait3A_325 = tpu.memref_squeeze %dma_wait3A_324 : memref<1x8x2048xf32, #tpu.memory_space<vmem>> -> memref<8x2048xf32, #tpu.memory_space<vmem>>
        %dma_wait3A_326 = arith.constant 0 : i32
        %dma_wait3A_327 = tpu.memref_slice %arg3[%mul3A_2, %dma_wait3A_326] : memref<1536x2048xf32, #tpu.memory_space<hbm>> -> memref<8x2048xf32, #tpu.memory_space<hbm>>
        %dma_wait3A_328 = tpu.memref_slice %arg8[%dma_wait3A_321] : memref<2x!tpu.dma_semaphore, #tpu.memory_space<semaphore_mem>> -> memref<1x!tpu.dma_semaphore, #tpu.memory_space<semaphore_mem>>
        %dma_wait3A_329 = tpu.memref_squeeze %dma_wait3A_328 : memref<1x!tpu.dma_semaphore, #tpu.memory_space<semaphore_mem>> -> memref<!tpu.dma_semaphore, #tpu.memory_space<semaphore_mem>>
        %dma_wait3A_330 = arith.constant 0 : i32
        %dma_wait3A_331 = tpu.memref_slice %arg3[%mul3A_2, %dma_wait3A_330] : memref<1536x2048xf32, #tpu.memory_space<hbm>> -> memref<8x2048xf32, #tpu.memory_space<hbm>>
        %dma_wait3A_332 = arith.constant 0 : i32
        %dma_wait3A_333 = arith.constant 0 : i32
        %dma_wait3A_334 = tpu.memref_slice %arg6[%dma_wait3A_320, %dma_wait3A_332, %dma_wait3A_333] : memref<2x8x2048xf32, #tpu.memory_space<vmem>> -> memref<1x8x2048xf32, #tpu.memory_space<vmem>>
        %dma_wait3A_335 = tpu.memref_squeeze %dma_wait3A_334 : memref<1x8x2048xf32, #tpu.memory_space<vmem>> -> memref<8x2048xf32, #tpu.memory_space<vmem>>
        tpu.wait_dma2 semaphore(%dma_wait3A_329 : memref<!tpu.dma_semaphore, #tpu.memory_space<semaphore_mem>>) src(%dma_wait3A_335 : memref<8x2048xf32, #tpu.memory_space<vmem>>) dst(%dma_wait3A_331 : memref<8x2048xf32, #tpu.memory_space<hbm>>)
      } else {
      }
      %parallel_loop3A_270 = arith.constant 0 : i32
      %parallel_loop3A_271 = arith.constant 2048 : i32
      %parallel_loop3A_272 = arith.constant 16 : i32
      scf.for %parallel_loop3A_320 = %parallel_loop3A_270 to %parallel_loop3A_271 step %parallel_loop3A_272  : i32 {
        %parallel_loop3A_321 = arith.constant 1 : i32
        %parallel_loop3A_322 = arith.constant 0 : i32
        %parallel_loop3A_323 = arith.index_cast %parallel_loop3A_321 : i32 to index
        %parallel_loop3A_324 = arith.index_cast %parallel_loop3A_322 : i32 to index
        %parallel_loop3A_325 = arith.index_cast %parallel_loop3A_320 : i32 to index
        %parallel_loop3A_326 = tpu.vector_load %arg4[%parallel_loop3A_323, %parallel_loop3A_324, %parallel_loop3A_325] {strides = array<i32>} : memref<2x8x2048xf32, #tpu.memory_space<vmem>>, vector<1x1x16xf32>,
        %parallel_loop3A_327 = vector.shape_cast %parallel_loop3A_326 : vector<1x1x16xf32> to vector<16xf32>
        %parallel_loop3A_328 = arith.constant 1 : i32
        %parallel_loop3A_329 = arith.constant 0 : i32
        %parallel_loop3A_330 = arith.index_cast %parallel_loop3A_328 : i32 to index
        %parallel_loop3A_331 = arith.index_cast %parallel_loop3A_329 : i32 to index
        %parallel_loop3A_332 = arith.index_cast %parallel_loop3A_320 : i32 to index
        %parallel_loop3A_333 = tpu.vector_load %arg5[%parallel_loop3A_330, %parallel_loop3A_331, %parallel_loop3A_332] {strides = array<i32>} : memref<2x8x2048xf32, #tpu.memory_space<vmem>>, vector<1x1x16xf32>,
        %parallel_loop3A_334 = vector.shape_cast %parallel_loop3A_333 : vector<1x1x16xf32> to vector<16xf32>
        %parallel_loop3A_335 = arith.addf %parallel_loop3A_327, %parallel_loop3A_334 : vector<16xf32>
        %parallel_loop3A_336 = arith.constant 0.000000e+00 : f32
        %parallel_loop3A_337 = vector.broadcast %parallel_loop3A_336 : f32 to vector<16xf32>
        %parallel_loop3A_338 = arith.cmpf ogt, %parallel_loop3A_335, %parallel_loop3A_337 : vector<16xf32>
        %parallel_loop3A_339 = arith.constant 1.000000e+00 : f32
        %parallel_loop3A_340 = arith.constant 0.000000e+00 : f32
        %parallel_loop3A_341 = vector.broadcast %parallel_loop3A_339 : f32 to vector<16xf32>
        %parallel_loop3A_342 = vector.broadcast %parallel_loop3A_340 : f32 to vector<16xf32>
        %parallel_loop3A_343 = arith.select %parallel_loop3A_338, %parallel_loop3A_341, %parallel_loop3A_342 : vector<16xi1>, vector<16xf32>
        %parallel_loop3A_344 = arith.constant 1 : i32
        %parallel_loop3A_345 = arith.constant 0 : i32
        %parallel_loop3A_346 = arith.index_cast %parallel_loop3A_344 : i32 to index
        %parallel_loop3A_347 = arith.index_cast %parallel_loop3A_345 : i32 to index
        %parallel_loop3A_348 = arith.index_cast %parallel_loop3A_320 : i32 to index
        %parallel_loop3A_349 = tpu.vector_load %arg6[%parallel_loop3A_346, %parallel_loop3A_347, %parallel_loop3A_348] {strides = array<i32>} : memref<2x8x2048xf32, #tpu.memory_space<vmem>>, vector<1x1x16xf32>,
        %parallel_loop3A_350 = vector.shape_cast %parallel_loop3A_349 : vector<1x1x16xf32> to vector<16xf32>
        %parallel_loop3A_351 = vector.shape_cast %parallel_loop3A_343 : vector<16xf32> to vector<1x1x16xf32>
        tpu.vector_store %arg6[%parallel_loop3A_346, %parallel_loop3A_347, %parallel_loop3A_348], %parallel_loop3A_351 {strides = array<i32>} : memref<2x8x2048xf32, #tpu.memory_space<vmem>>, vector<1x1x16xf32>,
      } {sc.loop_unroll_factor = 8 : i64, sc.parallel_access}
      %parallel_loop3A_273 = arith.constant 0 : i32
      %parallel_loop3A_274 = arith.constant 2048 : i32
      %parallel_loop3A_275 = arith.constant 16 : i32
      scf.for %parallel_loop3A_320 = %parallel_loop3A_273 to %parallel_loop3A_274 step %parallel_loop3A_275  : i32 {
        %parallel_loop3A_321 = arith.constant 1 : i32
        %parallel_loop3A_322 = arith.constant 1 : i32
        %parallel_loop3A_323 = arith.index_cast %parallel_loop3A_321 : i32 to index
        %parallel_loop3A_324 = arith.index_cast %parallel_loop3A_322 : i32 to index
        %parallel_loop3A_325 = arith.index_cast %parallel_loop3A_320 : i32 to index
        %parallel_loop3A_326 = tpu.vector_load %arg4[%parallel_loop3A_323, %parallel_loop3A_324, %parallel_loop3A_325] {strides = array<i32>} : memref<2x8x2048xf32, #tpu.memory_space<vmem>>, vector<1x1x16xf32>,
        %parallel_loop3A_327 = vector.shape_cast %parallel_loop3A_326 : vector<1x1x16xf32> to vector<16xf32>
        %parallel_loop3A_328 = arith.constant 1 : i32
        %parallel_loop3A_329 = arith.constant 1 : i32
        %parallel_loop3A_330 = arith.index_cast %parallel_loop3A_328 : i32 to index
        %parallel_loop3A_331 = arith.index_cast %parallel_loop3A_329 : i32 to index
        %parallel_loop3A_332 = arith.index_cast %parallel_loop3A_320 : i32 to index
        %parallel_loop3A_333 = tpu.vector_load %arg5[%parallel_loop3A_330, %parallel_loop3A_331, %parallel_loop3A_332] {strides = array<i32>} : memref<2x8x2048xf32, #tpu.memory_space<vmem>>, vector<1x1x16xf32>,
        %parallel_loop3A_334 = vector.shape_cast %parallel_loop3A_333 : vector<1x1x16xf32> to vector<16xf32>
        %parallel_loop3A_335 = arith.addf %parallel_loop3A_327, %parallel_loop3A_334 : vector<16xf32>
        %parallel_loop3A_336 = arith.constant 0.000000e+00 : f32
        %parallel_loop3A_337 = vector.broadcast %parallel_loop3A_336 : f32 to vector<16xf32>
        %parallel_loop3A_338 = arith.cmpf ogt, %parallel_loop3A_335, %parallel_loop3A_337 : vector<16xf32>
        %parallel_loop3A_339 = arith.constant 1.000000e+00 : f32
        %parallel_loop3A_340 = arith.constant 0.000000e+00 : f32
        %parallel_loop3A_341 = vector.broadcast %parallel_loop3A_339 : f32 to vector<16xf32>
        %parallel_loop3A_342 = vector.broadcast %parallel_loop3A_340 : f32 to vector<16xf32>
        %parallel_loop3A_343 = arith.select %parallel_loop3A_338, %parallel_loop3A_341, %parallel_loop3A_342 : vector<16xi1>, vector<16xf32>
        %parallel_loop3A_344 = arith.constant 1 : i32
        %parallel_loop3A_345 = arith.constant 1 : i32
        %parallel_loop3A_346 = arith.index_cast %parallel_loop3A_344 : i32 to index
        %parallel_loop3A_347 = arith.index_cast %parallel_loop3A_345 : i32 to index
        %parallel_loop3A_348 = arith.index_cast %parallel_loop3A_320 : i32 to index
        %parallel_loop3A_349 = tpu.vector_load %arg6[%parallel_loop3A_346, %parallel_loop3A_347, %parallel_loop3A_348] {strides = array<i32>} : memref<2x8x2048xf32, #tpu.memory_space<vmem>>, vector<1x1x16xf32>,
        %parallel_loop3A_350 = vector.shape_cast %parallel_loop3A_349 : vector<1x1x16xf32> to vector<16xf32>
        %parallel_loop3A_351 = vector.shape_cast %parallel_loop3A_343 : vector<16xf32> to vector<1x1x16xf32>
        tpu.vector_store %arg6[%parallel_loop3A_346, %parallel_loop3A_347, %parallel_loop3A_348], %parallel_loop3A_351 {strides = array<i32>} : memref<2x8x2048xf32, #tpu.memory_space<vmem>>, vector<1x1x16xf32>,
      } {sc.loop_unroll_factor = 8 : i64, sc.parallel_access}
      %parallel_loop3A_276 = arith.constant 0 : i32
      %parallel_loop3A_277 = arith.constant 2048 : i32
      %parallel_loop3A_278 = arith.constant 16 : i32
      scf.for %parallel_loop3A_320 = %parallel_loop3A_276 to %parallel_loop3A_277 step %parallel_loop3A_278  : i32 {
        %parallel_loop3A_321 = arith.constant 1 : i32
        %parallel_loop3A_322 = arith.constant 2 : i32
        %parallel_loop3A_323 = arith.index_cast %parallel_loop3A_321 : i32 to index
        %parallel_loop3A_324 = arith.index_cast %parallel_loop3A_322 : i32 to index
        %parallel_loop3A_325 = arith.index_cast %parallel_loop3A_320 : i32 to index
        %parallel_loop3A_326 = tpu.vector_load %arg4[%parallel_loop3A_323, %parallel_loop3A_324, %parallel_loop3A_325] {strides = array<i32>} : memref<2x8x2048xf32, #tpu.memory_space<vmem>>, vector<1x1x16xf32>,
        %parallel_loop3A_327 = vector.shape_cast %parallel_loop3A_326 : vector<1x1x16xf32> to vector<16xf32>
        %parallel_loop3A_328 = arith.constant 1 : i32
        %parallel_loop3A_329 = arith.constant 2 : i32
        %parallel_loop3A_330 = arith.index_cast %parallel_loop3A_328 : i32 to index
        %parallel_loop3A_331 = arith.index_cast %parallel_loop3A_329 : i32 to index
        %parallel_loop3A_332 = arith.index_cast %parallel_loop3A_320 : i32 to index
        %parallel_loop3A_333 = tpu.vector_load %arg5[%parallel_loop3A_330, %parallel_loop3A_331, %parallel_loop3A_332] {strides = array<i32>} : memref<2x8x2048xf32, #tpu.memory_space<vmem>>, vector<1x1x16xf32>,
        %parallel_loop3A_334 = vector.shape_cast %parallel_loop3A_333 : vector<1x1x16xf32> to vector<16xf32>
        %parallel_loop3A_335 = arith.addf %parallel_loop3A_327, %parallel_loop3A_334 : vector<16xf32>
        %parallel_loop3A_336 = arith.constant 0.000000e+00 : f32
        %parallel_loop3A_337 = vector.broadcast %parallel_loop3A_336 : f32 to vector<16xf32>
        %parallel_loop3A_338 = arith.cmpf ogt, %parallel_loop3A_335, %parallel_loop3A_337 : vector<16xf32>
        %parallel_loop3A_339 = arith.constant 1.000000e+00 : f32
        %parallel_loop3A_340 = arith.constant 0.000000e+00 : f32
        %parallel_loop3A_341 = vector.broadcast %parallel_loop3A_339 : f32 to vector<16xf32>
        %parallel_loop3A_342 = vector.broadcast %parallel_loop3A_340 : f32 to vector<16xf32>
        %parallel_loop3A_343 = arith.select %parallel_loop3A_338, %parallel_loop3A_341, %parallel_loop3A_342 : vector<16xi1>, vector<16xf32>
        %parallel_loop3A_344 = arith.constant 1 : i32
        %parallel_loop3A_345 = arith.constant 2 : i32
        %parallel_loop3A_346 = arith.index_cast %parallel_loop3A_344 : i32 to index
        %parallel_loop3A_347 = arith.index_cast %parallel_loop3A_345 : i32 to index
        %parallel_loop3A_348 = arith.index_cast %parallel_loop3A_320 : i32 to index
        %parallel_loop3A_349 = tpu.vector_load %arg6[%parallel_loop3A_346, %parallel_loop3A_347, %parallel_loop3A_348] {strides = array<i32>} : memref<2x8x2048xf32, #tpu.memory_space<vmem>>, vector<1x1x16xf32>,
        %parallel_loop3A_350 = vector.shape_cast %parallel_loop3A_349 : vector<1x1x16xf32> to vector<16xf32>
        %parallel_loop3A_351 = vector.shape_cast %parallel_loop3A_343 : vector<16xf32> to vector<1x1x16xf32>
        tpu.vector_store %arg6[%parallel_loop3A_346, %parallel_loop3A_347, %parallel_loop3A_348], %parallel_loop3A_351 {strides = array<i32>} : memref<2x8x2048xf32, #tpu.memory_space<vmem>>, vector<1x1x16xf32>,
      } {sc.loop_unroll_factor = 8 : i64, sc.parallel_access}
      %parallel_loop3A_279 = arith.constant 0 : i32
      %parallel_loop3A_280 = arith.constant 2048 : i32
      %parallel_loop3A_281 = arith.constant 16 : i32
      scf.for %parallel_loop3A_320 = %parallel_loop3A_279 to %parallel_loop3A_280 step %parallel_loop3A_281  : i32 {
        %parallel_loop3A_321 = arith.constant 1 : i32
        %parallel_loop3A_322 = arith.constant 3 : i32
        %parallel_loop3A_323 = arith.index_cast %parallel_loop3A_321 : i32 to index
        %parallel_loop3A_324 = arith.index_cast %parallel_loop3A_322 : i32 to index
        %parallel_loop3A_325 = arith.index_cast %parallel_loop3A_320 : i32 to index
        %parallel_loop3A_326 = tpu.vector_load %arg4[%parallel_loop3A_323, %parallel_loop3A_324, %parallel_loop3A_325] {strides = array<i32>} : memref<2x8x2048xf32, #tpu.memory_space<vmem>>, vector<1x1x16xf32>,
        %parallel_loop3A_327 = vector.shape_cast %parallel_loop3A_326 : vector<1x1x16xf32> to vector<16xf32>
        %parallel_loop3A_328 = arith.constant 1 : i32
        %parallel_loop3A_329 = arith.constant 3 : i32
        %parallel_loop3A_330 = arith.index_cast %parallel_loop3A_328 : i32 to index
        %parallel_loop3A_331 = arith.index_cast %parallel_loop3A_329 : i32 to index
        %parallel_loop3A_332 = arith.index_cast %parallel_loop3A_320 : i32 to index
        %parallel_loop3A_333 = tpu.vector_load %arg5[%parallel_loop3A_330, %parallel_loop3A_331, %parallel_loop3A_332] {strides = array<i32>} : memref<2x8x2048xf32, #tpu.memory_space<vmem>>, vector<1x1x16xf32>,
        %parallel_loop3A_334 = vector.shape_cast %parallel_loop3A_333 : vector<1x1x16xf32> to vector<16xf32>
        %parallel_loop3A_335 = arith.addf %parallel_loop3A_327, %parallel_loop3A_334 : vector<16xf32>
        %parallel_loop3A_336 = arith.constant 0.000000e+00 : f32
        %parallel_loop3A_337 = vector.broadcast %parallel_loop3A_336 : f32 to vector<16xf32>
        %parallel_loop3A_338 = arith.cmpf ogt, %parallel_loop3A_335, %parallel_loop3A_337 : vector<16xf32>
        %parallel_loop3A_339 = arith.constant 1.000000e+00 : f32
        %parallel_loop3A_340 = arith.constant 0.000000e+00 : f32
        %parallel_loop3A_341 = vector.broadcast %parallel_loop3A_339 : f32 to vector<16xf32>
        %parallel_loop3A_342 = vector.broadcast %parallel_loop3A_340 : f32 to vector<16xf32>
        %parallel_loop3A_343 = arith.select %parallel_loop3A_338, %parallel_loop3A_341, %parallel_loop3A_342 : vector<16xi1>, vector<16xf32>
        %parallel_loop3A_344 = arith.constant 1 : i32
        %parallel_loop3A_345 = arith.constant 3 : i32
        %parallel_loop3A_346 = arith.index_cast %parallel_loop3A_344 : i32 to index
        %parallel_loop3A_347 = arith.index_cast %parallel_loop3A_345 : i32 to index
        %parallel_loop3A_348 = arith.index_cast %parallel_loop3A_320 : i32 to index
        %parallel_loop3A_349 = tpu.vector_load %arg6[%parallel_loop3A_346, %parallel_loop3A_347, %parallel_loop3A_348] {strides = array<i32>} : memref<2x8x2048xf32, #tpu.memory_space<vmem>>, vector<1x1x16xf32>,
        %parallel_loop3A_350 = vector.shape_cast %parallel_loop3A_349 : vector<1x1x16xf32> to vector<16xf32>
        %parallel_loop3A_351 = vector.shape_cast %parallel_loop3A_343 : vector<16xf32> to vector<1x1x16xf32>
        tpu.vector_store %arg6[%parallel_loop3A_346, %parallel_loop3A_347, %parallel_loop3A_348], %parallel_loop3A_351 {strides = array<i32>} : memref<2x8x2048xf32, #tpu.memory_space<vmem>>, vector<1x1x16xf32>,
      } {sc.loop_unroll_factor = 8 : i64, sc.parallel_access}
      %parallel_loop3A_282 = arith.constant 0 : i32
      %parallel_loop3A_283 = arith.constant 2048 : i32
      %parallel_loop3A_284 = arith.constant 16 : i32
      scf.for %parallel_loop3A_320 = %parallel_loop3A_282 to %parallel_loop3A_283 step %parallel_loop3A_284  : i32 {
        %parallel_loop3A_321 = arith.constant 1 : i32
        %parallel_loop3A_322 = arith.constant 4 : i32
        %parallel_loop3A_323 = arith.index_cast %parallel_loop3A_321 : i32 to index
        %parallel_loop3A_324 = arith.index_cast %parallel_loop3A_322 : i32 to index
        %parallel_loop3A_325 = arith.index_cast %parallel_loop3A_320 : i32 to index
        %parallel_loop3A_326 = tpu.vector_load %arg4[%parallel_loop3A_323, %parallel_loop3A_324, %parallel_loop3A_325] {strides = array<i32>} : memref<2x8x2048xf32, #tpu.memory_space<vmem>>, vector<1x1x16xf32>,
        %parallel_loop3A_327 = vector.shape_cast %parallel_loop3A_326 : vector<1x1x16xf32> to vector<16xf32>
        %parallel_loop3A_328 = arith.constant 1 : i32
        %parallel_loop3A_329 = arith.constant 4 : i32
        %parallel_loop3A_330 = arith.index_cast %parallel_loop3A_328 : i32 to index
        %parallel_loop3A_331 = arith.index_cast %parallel_loop3A_329 : i32 to index
        %parallel_loop3A_332 = arith.index_cast %parallel_loop3A_320 : i32 to index
        %parallel_loop3A_333 = tpu.vector_load %arg5[%parallel_loop3A_330, %parallel_loop3A_331, %parallel_loop3A_332] {strides = array<i32>} : memref<2x8x2048xf32, #tpu.memory_space<vmem>>, vector<1x1x16xf32>,
        %parallel_loop3A_334 = vector.shape_cast %parallel_loop3A_333 : vector<1x1x16xf32> to vector<16xf32>
        %parallel_loop3A_335 = arith.addf %parallel_loop3A_327, %parallel_loop3A_334 : vector<16xf32>
        %parallel_loop3A_336 = arith.constant 0.000000e+00 : f32
        %parallel_loop3A_337 = vector.broadcast %parallel_loop3A_336 : f32 to vector<16xf32>
        %parallel_loop3A_338 = arith.cmpf ogt, %parallel_loop3A_335, %parallel_loop3A_337 : vector<16xf32>
        %parallel_loop3A_339 = arith.constant 1.000000e+00 : f32
        %parallel_loop3A_340 = arith.constant 0.000000e+00 : f32
        %parallel_loop3A_341 = vector.broadcast %parallel_loop3A_339 : f32 to vector<16xf32>
        %parallel_loop3A_342 = vector.broadcast %parallel_loop3A_340 : f32 to vector<16xf32>
        %parallel_loop3A_343 = arith.select %parallel_loop3A_338, %parallel_loop3A_341, %parallel_loop3A_342 : vector<16xi1>, vector<16xf32>
        %parallel_loop3A_344 = arith.constant 1 : i32
        %parallel_loop3A_345 = arith.constant 4 : i32
        %parallel_loop3A_346 = arith.index_cast %parallel_loop3A_344 : i32 to index
        %parallel_loop3A_347 = arith.index_cast %parallel_loop3A_345 : i32 to index
        %parallel_loop3A_348 = arith.index_cast %parallel_loop3A_320 : i32 to index
        %parallel_loop3A_349 = tpu.vector_load %arg6[%parallel_loop3A_346, %parallel_loop3A_347, %parallel_loop3A_348] {strides = array<i32>} : memref<2x8x2048xf32, #tpu.memory_space<vmem>>, vector<1x1x16xf32>,
        %parallel_loop3A_350 = vector.shape_cast %parallel_loop3A_349 : vector<1x1x16xf32> to vector<16xf32>
        %parallel_loop3A_351 = vector.shape_cast %parallel_loop3A_343 : vector<16xf32> to vector<1x1x16xf32>
        tpu.vector_store %arg6[%parallel_loop3A_346, %parallel_loop3A_347, %parallel_loop3A_348], %parallel_loop3A_351 {strides = array<i32>} : memref<2x8x2048xf32, #tpu.memory_space<vmem>>, vector<1x1x16xf32>,
      } {sc.loop_unroll_factor = 8 : i64, sc.parallel_access}
      %parallel_loop3A_285 = arith.constant 0 : i32
      %parallel_loop3A_286 = arith.constant 2048 : i32
      %parallel_loop3A_287 = arith.constant 16 : i32
      scf.for %parallel_loop3A_320 = %parallel_loop3A_285 to %parallel_loop3A_286 step %parallel_loop3A_287  : i32 {
        %parallel_loop3A_321 = arith.constant 1 : i32
        %parallel_loop3A_322 = arith.constant 5 : i32
        %parallel_loop3A_323 = arith.index_cast %parallel_loop3A_321 : i32 to index
        %parallel_loop3A_324 = arith.index_cast %parallel_loop3A_322 : i32 to index
        %parallel_loop3A_325 = arith.index_cast %parallel_loop3A_320 : i32 to index
        %parallel_loop3A_326 = tpu.vector_load %arg4[%parallel_loop3A_323, %parallel_loop3A_324, %parallel_loop3A_325] {strides = array<i32>} : memref<2x8x2048xf32, #tpu.memory_space<vmem>>, vector<1x1x16xf32>,
        %parallel_loop3A_327 = vector.shape_cast %parallel_loop3A_326 : vector<1x1x16xf32> to vector<16xf32>
        %parallel_loop3A_328 = arith.constant 1 : i32
        %parallel_loop3A_329 = arith.constant 5 : i32
        %parallel_loop3A_330 = arith.index_cast %parallel_loop3A_328 : i32 to index
        %parallel_loop3A_331 = arith.index_cast %parallel_loop3A_329 : i32 to index
        %parallel_loop3A_332 = arith.index_cast %parallel_loop3A_320 : i32 to index
        %parallel_loop3A_333 = tpu.vector_load %arg5[%parallel_loop3A_330, %parallel_loop3A_331, %parallel_loop3A_332] {strides = array<i32>} : memref<2x8x2048xf32, #tpu.memory_space<vmem>>, vector<1x1x16xf32>,
        %parallel_loop3A_334 = vector.shape_cast %parallel_loop3A_333 : vector<1x1x16xf32> to vector<16xf32>
        %parallel_loop3A_335 = arith.addf %parallel_loop3A_327, %parallel_loop3A_334 : vector<16xf32>
        %parallel_loop3A_336 = arith.constant 0.000000e+00 : f32
        %parallel_loop3A_337 = vector.broadcast %parallel_loop3A_336 : f32 to vector<16xf32>
        %parallel_loop3A_338 = arith.cmpf ogt, %parallel_loop3A_335, %parallel_loop3A_337 : vector<16xf32>
        %parallel_loop3A_339 = arith.constant 1.000000e+00 : f32
        %parallel_loop3A_340 = arith.constant 0.000000e+00 : f32
        %parallel_loop3A_341 = vector.broadcast %parallel_loop3A_339 : f32 to vector<16xf32>
        %parallel_loop3A_342 = vector.broadcast %parallel_loop3A_340 : f32 to vector<16xf32>
        %parallel_loop3A_343 = arith.select %parallel_loop3A_338, %parallel_loop3A_341, %parallel_loop3A_342 : vector<16xi1>, vector<16xf32>
        %parallel_loop3A_344 = arith.constant 1 : i32
        %parallel_loop3A_345 = arith.constant 5 : i32
        %parallel_loop3A_346 = arith.index_cast %parallel_loop3A_344 : i32 to index
        %parallel_loop3A_347 = arith.index_cast %parallel_loop3A_345 : i32 to index
        %parallel_loop3A_348 = arith.index_cast %parallel_loop3A_320 : i32 to index
        %parallel_loop3A_349 = tpu.vector_load %arg6[%parallel_loop3A_346, %parallel_loop3A_347, %parallel_loop3A_348] {strides = array<i32>} : memref<2x8x2048xf32, #tpu.memory_space<vmem>>, vector<1x1x16xf32>,
        %parallel_loop3A_350 = vector.shape_cast %parallel_loop3A_349 : vector<1x1x16xf32> to vector<16xf32>
        %parallel_loop3A_351 = vector.shape_cast %parallel_loop3A_343 : vector<16xf32> to vector<1x1x16xf32>
        tpu.vector_store %arg6[%parallel_loop3A_346, %parallel_loop3A_347, %parallel_loop3A_348], %parallel_loop3A_351 {strides = array<i32>} : memref<2x8x2048xf32, #tpu.memory_space<vmem>>, vector<1x1x16xf32>,
      } {sc.loop_unroll_factor = 8 : i64, sc.parallel_access}
      %parallel_loop3A_288 = arith.constant 0 : i32
      %parallel_loop3A_289 = arith.constant 2048 : i32
      %parallel_loop3A_290 = arith.constant 16 : i32
      scf.for %parallel_loop3A_320 = %parallel_loop3A_288 to %parallel_loop3A_289 step %parallel_loop3A_290  : i32 {
        %parallel_loop3A_321 = arith.constant 1 : i32
        %parallel_loop3A_322 = arith.constant 6 : i32
        %parallel_loop3A_323 = arith.index_cast %parallel_loop3A_321 : i32 to index
        %parallel_loop3A_324 = arith.index_cast %parallel_loop3A_322 : i32 to index
        %parallel_loop3A_325 = arith.index_cast %parallel_loop3A_320 : i32 to index
        %parallel_loop3A_326 = tpu.vector_load %arg4[%parallel_loop3A_323, %parallel_loop3A_324, %parallel_loop3A_325] {strides = array<i32>} : memref<2x8x2048xf32, #tpu.memory_space<vmem>>, vector<1x1x16xf32>,
        %parallel_loop3A_327 = vector.shape_cast %parallel_loop3A_326 : vector<1x1x16xf32> to vector<16xf32>
        %parallel_loop3A_328 = arith.constant 1 : i32
        %parallel_loop3A_329 = arith.constant 6 : i32
        %parallel_loop3A_330 = arith.index_cast %parallel_loop3A_328 : i32 to index
        %parallel_loop3A_331 = arith.index_cast %parallel_loop3A_329 : i32 to index
        %parallel_loop3A_332 = arith.index_cast %parallel_loop3A_320 : i32 to index
        %parallel_loop3A_333 = tpu.vector_load %arg5[%parallel_loop3A_330, %parallel_loop3A_331, %parallel_loop3A_332] {strides = array<i32>} : memref<2x8x2048xf32, #tpu.memory_space<vmem>>, vector<1x1x16xf32>,
        %parallel_loop3A_334 = vector.shape_cast %parallel_loop3A_333 : vector<1x1x16xf32> to vector<16xf32>
        %parallel_loop3A_335 = arith.addf %parallel_loop3A_327, %parallel_loop3A_334 : vector<16xf32>
        %parallel_loop3A_336 = arith.constant 0.000000e+00 : f32
        %parallel_loop3A_337 = vector.broadcast %parallel_loop3A_336 : f32 to vector<16xf32>
        %parallel_loop3A_338 = arith.cmpf ogt, %parallel_loop3A_335, %parallel_loop3A_337 : vector<16xf32>
        %parallel_loop3A_339 = arith.constant 1.000000e+00 : f32
        %parallel_loop3A_340 = arith.constant 0.000000e+00 : f32
        %parallel_loop3A_341 = vector.broadcast %parallel_loop3A_339 : f32 to vector<16xf32>
        %parallel_loop3A_342 = vector.broadcast %parallel_loop3A_340 : f32 to vector<16xf32>
        %parallel_loop3A_343 = arith.select %parallel_loop3A_338, %parallel_loop3A_341, %parallel_loop3A_342 : vector<16xi1>, vector<16xf32>
        %parallel_loop3A_344 = arith.constant 1 : i32
        %parallel_loop3A_345 = arith.constant 6 : i32
        %parallel_loop3A_346 = arith.index_cast %parallel_loop3A_344 : i32 to index
        %parallel_loop3A_347 = arith.index_cast %parallel_loop3A_345 : i32 to index
        %parallel_loop3A_348 = arith.index_cast %parallel_loop3A_320 : i32 to index
        %parallel_loop3A_349 = tpu.vector_load %arg6[%parallel_loop3A_346, %parallel_loop3A_347, %parallel_loop3A_348] {strides = array<i32>} : memref<2x8x2048xf32, #tpu.memory_space<vmem>>, vector<1x1x16xf32>,
        %parallel_loop3A_350 = vector.shape_cast %parallel_loop3A_349 : vector<1x1x16xf32> to vector<16xf32>
        %parallel_loop3A_351 = vector.shape_cast %parallel_loop3A_343 : vector<16xf32> to vector<1x1x16xf32>
        tpu.vector_store %arg6[%parallel_loop3A_346, %parallel_loop3A_347, %parallel_loop3A_348], %parallel_loop3A_351 {strides = array<i32>} : memref<2x8x2048xf32, #tpu.memory_space<vmem>>, vector<1x1x16xf32>,
      } {sc.loop_unroll_factor = 8 : i64, sc.parallel_access}
      %parallel_loop3A_291 = arith.constant 0 : i32
      %parallel_loop3A_292 = arith.constant 2048 : i32
      %parallel_loop3A_293 = arith.constant 16 : i32
      scf.for %parallel_loop3A_320 = %parallel_loop3A_291 to %parallel_loop3A_292 step %parallel_loop3A_293  : i32 {
        %parallel_loop3A_321 = arith.constant 1 : i32
        %parallel_loop3A_322 = arith.constant 7 : i32
        %parallel_loop3A_323 = arith.index_cast %parallel_loop3A_321 : i32 to index
        %parallel_loop3A_324 = arith.index_cast %parallel_loop3A_322 : i32 to index
        %parallel_loop3A_325 = arith.index_cast %parallel_loop3A_320 : i32 to index
        %parallel_loop3A_326 = tpu.vector_load %arg4[%parallel_loop3A_323, %parallel_loop3A_324, %parallel_loop3A_325] {strides = array<i32>} : memref<2x8x2048xf32, #tpu.memory_space<vmem>>, vector<1x1x16xf32>,
        %parallel_loop3A_327 = vector.shape_cast %parallel_loop3A_326 : vector<1x1x16xf32> to vector<16xf32>
        %parallel_loop3A_328 = arith.constant 1 : i32
        %parallel_loop3A_329 = arith.constant 7 : i32
        %parallel_loop3A_330 = arith.index_cast %parallel_loop3A_328 : i32 to index
        %parallel_loop3A_331 = arith.index_cast %parallel_loop3A_329 : i32 to index
        %parallel_loop3A_332 = arith.index_cast %parallel_loop3A_320 : i32 to index
        %parallel_loop3A_333 = tpu.vector_load %arg5[%parallel_loop3A_330, %parallel_loop3A_331, %parallel_loop3A_332] {strides = array<i32>} : memref<2x8x2048xf32, #tpu.memory_space<vmem>>, vector<1x1x16xf32>,
        %parallel_loop3A_334 = vector.shape_cast %parallel_loop3A_333 : vector<1x1x16xf32> to vector<16xf32>
        %parallel_loop3A_335 = arith.addf %parallel_loop3A_327, %parallel_loop3A_334 : vector<16xf32>
        %parallel_loop3A_336 = arith.constant 0.000000e+00 : f32
        %parallel_loop3A_337 = vector.broadcast %parallel_loop3A_336 : f32 to vector<16xf32>
        %parallel_loop3A_338 = arith.cmpf ogt, %parallel_loop3A_335, %parallel_loop3A_337 : vector<16xf32>
        %parallel_loop3A_339 = arith.constant 1.000000e+00 : f32
        %parallel_loop3A_340 = arith.constant 0.000000e+00 : f32
        %parallel_loop3A_341 = vector.broadcast %parallel_loop3A_339 : f32 to vector<16xf32>
        %parallel_loop3A_342 = vector.broadcast %parallel_loop3A_340 : f32 to vector<16xf32>
        %parallel_loop3A_343 = arith.select %parallel_loop3A_338, %parallel_loop3A_341, %parallel_loop3A_342 : vector<16xi1>, vector<16xf32>
        %parallel_loop3A_344 = arith.constant 1 : i32
        %parallel_loop3A_345 = arith.constant 7 : i32
        %parallel_loop3A_346 = arith.index_cast %parallel_loop3A_344 : i32 to index
        %parallel_loop3A_347 = arith.index_cast %parallel_loop3A_345 : i32 to index
        %parallel_loop3A_348 = arith.index_cast %parallel_loop3A_320 : i32 to index
        %parallel_loop3A_349 = tpu.vector_load %arg6[%parallel_loop3A_346, %parallel_loop3A_347, %parallel_loop3A_348] {strides = array<i32>} : memref<2x8x2048xf32, #tpu.memory_space<vmem>>, vector<1x1x16xf32>,
        %parallel_loop3A_350 = vector.shape_cast %parallel_loop3A_349 : vector<1x1x16xf32> to vector<16xf32>
        %parallel_loop3A_351 = vector.shape_cast %parallel_loop3A_343 : vector<16xf32> to vector<1x1x16xf32>
        tpu.vector_store %arg6[%parallel_loop3A_346, %parallel_loop3A_347, %parallel_loop3A_348], %parallel_loop3A_351 {strides = array<i32>} : memref<2x8x2048xf32, #tpu.memory_space<vmem>>, vector<1x1x16xf32>,
      } {sc.loop_unroll_factor = 8 : i64, sc.parallel_access}
      %mul3A_294 = arith.constant 8 : i32
      %mul3A_295 = arith.muli %add3A_222, %mul3A_294 : i32
      %add3A_296 = arith.addi %mul3A_2, %mul3A_295 : i32
      %dma_start3A_297 = arith.constant 1 : i32
      %dma_start3A_298 = arith.constant 1 : i32
      %dma_start3A_299 = arith.constant 0 : i32
      %dma_start3A_300 = arith.constant 0 : i32
      %dma_start3A_301 = tpu.memref_slice %arg6[%dma_start3A_297, %dma_start3A_299, %dma_start3A_300] : memref<2x8x2048xf32, #tpu.memory_space<vmem>> -> memref<1x8x2048xf32, #tpu.memory_space<vmem>>
      %dma_start3A_302 = tpu.memref_squeeze %dma_start3A_301 : memref<1x8x2048xf32, #tpu.memory_space<vmem>> -> memref<8x2048xf32, #tpu.memory_space<vmem>>
      %dma_start3A_303 = arith.constant 0 : i32
      %dma_start3A_304 = tpu.memref_slice %arg3[%add3A_296, %dma_start3A_303] : memref<1536x2048xf32, #tpu.memory_space<hbm>> -> memref<8x2048xf32, #tpu.memory_space<hbm>>
      %dma_start3A_305 = tpu.memref_slice %arg8[%dma_start3A_298] : memref<2x!tpu.dma_semaphore, #tpu.memory_space<semaphore_mem>> -> memref<1x!tpu.dma_semaphore, #tpu.memory_space<semaphore_mem>>
      %dma_start3A_306 = tpu.memref_squeeze %dma_start3A_305 : memref<1x!tpu.dma_semaphore, #tpu.memory_space<semaphore_mem>> -> memref<!tpu.dma_semaphore, #tpu.memory_space<semaphore_mem>>
      %dma_start3A_307 = arith.constant 0 : i32
      %dma_start3A_308 = tpu.memref_slice %arg3[%add3A_296, %dma_start3A_307] : memref<1536x2048xf32, #tpu.memory_space<hbm>> -> memref<8x2048xf32, #tpu.memory_space<hbm>>
      %dma_start3A_309 = arith.constant 0 : i32
      %dma_start3A_310 = arith.constant 0 : i32
      %dma_start3A_311 = tpu.memref_slice %arg6[%dma_start3A_297, %dma_start3A_309, %dma_start3A_310] : memref<2x8x2048xf32, #tpu.memory_space<vmem>> -> memref<1x8x2048xf32, #tpu.memory_space<vmem>>
      %dma_start3A_312 = tpu.memref_squeeze %dma_start3A_311 : memref<1x8x2048xf32, #tpu.memory_space<vmem>> -> memref<8x2048xf32, #tpu.memory_space<vmem>>
      tpu.enqueue_dma source(%dma_start3A_312 : memref<8x2048xf32, #tpu.memory_space<vmem>>) target(%dma_start3A_308 : memref<8x2048xf32, #tpu.memory_space<hbm>>) target_semaphore(%dma_start3A_306 : memref<!tpu.dma_semaphore, #tpu.memory_space<semaphore_mem>>)
      %add3A_313 = arith.constant 2 : i32
      %add3A_314 = arith.addi %add3A_222, %add3A_313 : i32
      %lt3A_315 = arith.constant 6 : i32
      %lt3A_316 = arith.cmpi slt, %add3A_314, %lt3A_315 : i32
      %convert_element_type3A_317 = arith.extui %lt3A_316 : i1 to i32
      %cond3A_318 = arith.constant 0 : i32
      %cond3A_319 = arith.cmpi ne, %convert_element_type3A_317, %cond3A_318 : i32
      scf.if %cond3A_319 {
        %add3A_320 = arith.constant 2 : i32
        %add3A_321 = arith.addi %add3A_222, %add3A_320 : i32
        %add3A_322 = arith.constant 2560 : i32
        %add3A_323 = arith.addi %add3A_322, %mul3A_2 : i32
        %mul3A_324 = arith.constant 8 : i32
        %mul3A_325 = arith.muli %add3A_321, %mul3A_324 : i32
        %add3A_326 = arith.addi %add3A_323, %mul3A_325 : i32
        %dma_start3A_327 = arith.constant 0 : i32
        %dma_start3A_328 = arith.constant 1 : i32
        %dma_start3A_329 = arith.constant 1 : i32
        %dma_start3A_330 = arith.constant 0 : i32
        %dma_start3A_331 = arith.constant 0 : i32
        %dma_start3A_332 = tpu.memref_slice %arg4[%dma_start3A_328, %dma_start3A_330, %dma_start3A_331] : memref<2x8x2048xf32, #tpu.memory_space<vmem>> -> memref<1x8x2048xf32, #tpu.memory_space<vmem>>
        %dma_start3A_333 = tpu.memref_squeeze %dma_start3A_332 : memref<1x8x2048xf32, #tpu.memory_space<vmem>> -> memref<8x2048xf32, #tpu.memory_space<vmem>>
        %dma_start3A_334 = arith.constant 0 : i32
        %dma_start3A_335 = tpu.memref_slice %arg2[%dma_start3A_327, %add3A_326, %dma_start3A_334] : memref<2x4096x2048xf32, #tpu.memory_space<hbm>> -> memref<1x8x2048xf32, #tpu.memory_space<hbm>>
        %dma_start3A_336 = tpu.memref_squeeze %dma_start3A_335 : memref<1x8x2048xf32, #tpu.memory_space<hbm>> -> memref<8x2048xf32, #tpu.memory_space<hbm>>
        %dma_start3A_337 = tpu.memref_slice %arg7[%dma_start3A_329] : memref<2x!tpu.dma_semaphore, #tpu.memory_space<semaphore_mem>> -> memref<1x!tpu.dma_semaphore, #tpu.memory_space<semaphore_mem>>
        %dma_start3A_338 = tpu.memref_squeeze %dma_start3A_337 : memref<1x!tpu.dma_semaphore, #tpu.memory_space<semaphore_mem>> -> memref<!tpu.dma_semaphore, #tpu.memory_space<semaphore_mem>>
        %dma_start3A_339 = arith.constant 0 : i32
        %dma_start3A_340 = arith.constant 0 : i32
        %dma_start3A_341 = tpu.memref_slice %arg4[%dma_start3A_328, %dma_start3A_339, %dma_start3A_340] : memref<2x8x2048xf32, #tpu.memory_space<vmem>> -> memref<1x8x2048xf32, #tpu.memory_space<vmem>>
        %dma_start3A_342 = tpu.memref_squeeze %dma_start3A_341 : memref<1x8x2048xf32, #tpu.memory_space<vmem>> -> memref<8x2048xf32, #tpu.memory_space<vmem>>
        %dma_start3A_343 = arith.constant 0 : i32
        %dma_start3A_344 = tpu.memref_slice %arg2[%dma_start3A_327, %add3A_326, %dma_start3A_343] : memref<2x4096x2048xf32, #tpu.memory_space<hbm>> -> memref<1x8x2048xf32, #tpu.memory_space<hbm>>
        %dma_start3A_345 = tpu.memref_squeeze %dma_start3A_344 : memref<1x8x2048xf32, #tpu.memory_space<hbm>> -> memref<8x2048xf32, #tpu.memory_space<hbm>>
        tpu.enqueue_dma source(%dma_start3A_345 : memref<8x2048xf32, #tpu.memory_space<hbm>>) target(%dma_start3A_342 : memref<8x2048xf32, #tpu.memory_space<vmem>>) target_semaphore(%dma_start3A_338 : memref<!tpu.dma_semaphore, #tpu.memory_space<semaphore_mem>>)
        %dma_start3A_346 = arith.constant 1 : i32
        %dma_start3A_347 = arith.constant 1 : i32
        %dma_start3A_348 = arith.constant 1 : i32
        %dma_start3A_349 = arith.constant 0 : i32
        %dma_start3A_350 = arith.constant 0 : i32
        %dma_start3A_351 = tpu.memref_slice %arg5[%dma_start3A_347, %dma_start3A_349, %dma_start3A_350] : memref<2x8x2048xf32, #tpu.memory_space<vmem>> -> memref<1x8x2048xf32, #tpu.memory_space<vmem>>
        %dma_start3A_352 = tpu.memref_squeeze %dma_start3A_351 : memref<1x8x2048xf32, #tpu.memory_space<vmem>> -> memref<8x2048xf32, #tpu.memory_space<vmem>>
        %dma_start3A_353 = arith.constant 0 : i32
        %dma_start3A_354 = tpu.memref_slice %arg2[%dma_start3A_346, %add3A_326, %dma_start3A_353] : memref<2x4096x2048xf32, #tpu.memory_space<hbm>> -> memref<1x8x2048xf32, #tpu.memory_space<hbm>>
        %dma_start3A_355 = tpu.memref_squeeze %dma_start3A_354 : memref<1x8x2048xf32, #tpu.memory_space<hbm>> -> memref<8x2048xf32, #tpu.memory_space<hbm>>
        %dma_start3A_356 = tpu.memref_slice %arg7[%dma_start3A_348] : memref<2x!tpu.dma_semaphore, #tpu.memory_space<semaphore_mem>> -> memref<1x!tpu.dma_semaphore, #tpu.memory_space<semaphore_mem>>
        %dma_start3A_357 = tpu.memref_squeeze %dma_start3A_356 : memref<1x!tpu.dma_semaphore, #tpu.memory_space<semaphore_mem>> -> memref<!tpu.dma_semaphore, #tpu.memory_space<semaphore_mem>>
        %dma_start3A_358 = arith.constant 0 : i32
        %dma_start3A_359 = arith.constant 0 : i32
        %dma_start3A_360 = tpu.memref_slice %arg5[%dma_start3A_347, %dma_start3A_358, %dma_start3A_359] : memref<2x8x2048xf32, #tpu.memory_space<vmem>> -> memref<1x8x2048xf32, #tpu.memory_space<vmem>>
        %dma_start3A_361 = tpu.memref_squeeze %dma_start3A_360 : memref<1x8x2048xf32, #tpu.memory_space<vmem>> -> memref<8x2048xf32, #tpu.memory_space<vmem>>
        %dma_start3A_362 = arith.constant 0 : i32
        %dma_start3A_363 = tpu.memref_slice %arg2[%dma_start3A_346, %add3A_326, %dma_start3A_362] : memref<2x4096x2048xf32, #tpu.memory_space<hbm>> -> memref<1x8x2048xf32, #tpu.memory_space<hbm>>
        %dma_start3A_364 = tpu.memref_squeeze %dma_start3A_363 : memref<1x8x2048xf32, #tpu.memory_space<hbm>> -> memref<8x2048xf32, #tpu.memory_space<hbm>>
        tpu.enqueue_dma source(%dma_start3A_364 : memref<8x2048xf32, #tpu.memory_space<hbm>>) target(%dma_start3A_361 : memref<8x2048xf32, #tpu.memory_space<vmem>>) target_semaphore(%dma_start3A_357 : memref<!tpu.dma_semaphore, #tpu.memory_space<semaphore_mem>>)
      } else {
      }
    }
    %scan3A_90 = arith.constant 3 : i32
    %dma_wait3A = arith.constant 0 : i32
    %dma_wait3A_91 = arith.constant 0 : i32
    %dma_wait3A_92 = arith.constant 0 : i32
    %dma_wait3A_93 = arith.constant 0 : i32
    %dma_wait3A_94 = tpu.memref_slice %arg6[%dma_wait3A, %dma_wait3A_92, %dma_wait3A_93] : memref<2x8x2048xf32, #tpu.memory_space<vmem>> -> memref<1x8x2048xf32, #tpu.memory_space<vmem>>
    %dma_wait3A_95 = tpu.memref_squeeze %dma_wait3A_94 : memref<1x8x2048xf32, #tpu.memory_space<vmem>> -> memref<8x2048xf32, #tpu.memory_space<vmem>>
    %dma_wait3A_96 = arith.constant 0 : i32
    %dma_wait3A_97 = tpu.memref_slice %arg3[%mul3A_2, %dma_wait3A_96] : memref<1536x2048xf32, #tpu.memory_space<hbm>> -> memref<8x2048xf32, #tpu.memory_space<hbm>>
    %dma_wait3A_98 = tpu.memref_slice %arg8[%dma_wait3A_91] : memref<2x!tpu.dma_semaphore, #tpu.memory_space<semaphore_mem>> -> memref<1x!tpu.dma_semaphore, #tpu.memory_space<semaphore_mem>>
    %dma_wait3A_99 = tpu.memref_squeeze %dma_wait3A_98 : memref<1x!tpu.dma_semaphore, #tpu.memory_space<semaphore_mem>> -> memref<!tpu.dma_semaphore, #tpu.memory_space<semaphore_mem>>
    %dma_wait3A_100 = arith.constant 0 : i32
    %dma_wait3A_101 = tpu.memref_slice %arg3[%mul3A_2, %dma_wait3A_100] : memref<1536x2048xf32, #tpu.memory_space<hbm>> -> memref<8x2048xf32, #tpu.memory_space<hbm>>
    %dma_wait3A_102 = arith.constant 0 : i32
    %dma_wait3A_103 = arith.constant 0 : i32
    %dma_wait3A_104 = tpu.memref_slice %arg6[%dma_wait3A, %dma_wait3A_102, %dma_wait3A_103] : memref<2x8x2048xf32, #tpu.memory_space<vmem>> -> memref<1x8x2048xf32, #tpu.memory_space<vmem>>
    %dma_wait3A_105 = tpu.memref_squeeze %dma_wait3A_104 : memref<1x8x2048xf32, #tpu.memory_space<vmem>> -> memref<8x2048xf32, #tpu.memory_space<vmem>>
    tpu.wait_dma2 semaphore(%dma_wait3A_99 : memref<!tpu.dma_semaphore, #tpu.memory_space<semaphore_mem>>) src(%dma_wait3A_105 : memref<8x2048xf32, #tpu.memory_space<vmem>>) dst(%dma_wait3A_101 : memref<8x2048xf32, #tpu.memory_space<hbm>>)
    %dma_wait3A_106 = arith.constant 1 : i32
    %dma_wait3A_107 = arith.constant 1 : i32
    %dma_wait3A_108 = arith.constant 0 : i32
    %dma_wait3A_109 = arith.constant 0 : i32
    %dma_wait3A_110 = tpu.memref_slice %arg6[%dma_wait3A_106, %dma_wait3A_108, %dma_wait3A_109] : memref<2x8x2048xf32, #tpu.memory_space<vmem>> -> memref<1x8x2048xf32, #tpu.memory_space<vmem>>
    %dma_wait3A_111 = tpu.memref_squeeze %dma_wait3A_110 : memref<1x8x2048xf32, #tpu.memory_space<vmem>> -> memref<8x2048xf32, #tpu.memory_space<vmem>>
    %dma_wait3A_112 = arith.constant 0 : i32
    %dma_wait3A_113 = tpu.memref_slice %arg3[%mul3A_2, %dma_wait3A_112] : memref<1536x2048xf32, #tpu.memory_space<hbm>> -> memref<8x2048xf32, #tpu.memory_space<hbm>>
    %dma_wait3A_114 = tpu.memref_slice %arg8[%dma_wait3A_107] : memref<2x!tpu.dma_semaphore, #tpu.memory_space<semaphore_mem>> -> memref<1x!tpu.dma_semaphore, #tpu.memory_space<semaphore_mem>>
    %dma_wait3A_115 = tpu.memref_squeeze %dma_wait3A_114 : memref<1x!tpu.dma_semaphore, #tpu.memory_space<semaphore_mem>> -> memref<!tpu.dma_semaphore, #tpu.memory_space<semaphore_mem>>
    %dma_wait3A_116 = arith.constant 0 : i32
    %dma_wait3A_117 = tpu.memref_slice %arg3[%mul3A_2, %dma_wait3A_116] : memref<1536x2048xf32, #tpu.memory_space<hbm>> -> memref<8x2048xf32, #tpu.memory_space<hbm>>
    %dma_wait3A_118 = arith.constant 0 : i32
    %dma_wait3A_119 = arith.constant 0 : i32
    %dma_wait3A_120 = tpu.memref_slice %arg6[%dma_wait3A_106, %dma_wait3A_118, %dma_wait3A_119] : memref<2x8x2048xf32, #tpu.memory_space<vmem>> -> memref<1x8x2048xf32, #tpu.memory_space<vmem>>
    %dma_wait3A_121 = tpu.memref_squeeze %dma_wait3A_120 : memref<1x8x2048xf32, #tpu.memory_space<vmem>> -> memref<8x2048xf32, #tpu.memory_space<vmem>>
    tpu.wait_dma2 semaphore(%dma_wait3A_115 : memref<!tpu.dma_semaphore, #tpu.memory_space<semaphore_mem>>) src(%dma_wait3A_121 : memref<8x2048xf32, #tpu.memory_space<vmem>>) dst(%dma_wait3A_117 : memref<8x2048xf32, #tpu.memory_space<hbm>>)
    return
  }
}

module attributes {stable_mosaic.version = 14 : i64} {
  func.func @_tc_gaines_div(%arg0: i32, %arg1: memref<2x512x2048xf32, #tpu.memory_space<vmem>>, %arg2: memref<512x2048xf32, #tpu.memory_space<vmem>>) attributes {dimension_semantics = [#tpu.dimension_semantics<arbitrary>], iteration_bounds = array<i64: 5>, scalar_prefetch = 0 : i64, scratch_operands = 0 : i64, tpu.core_type = #tpu.core_type<tc>, window_params = [{transform_indices = @transform_0, window_bounds = array<i64: 2, 512, 2048>}, {transform_indices = @transform_1, window_bounds = array<i64: 512, 2048>}]} {
    %get3A = arith.constant 0 : index
    %get3A_0 = arith.constant 0 : index
    %get3A_1 = arith.constant 0 : index
    %get3A_2 = vector.load %arg1[%get3A, %get3A_0, %get3A_1] : memref<2x512x2048xf32, #tpu.memory_space<vmem>>, vector<1x512x2048xf32>
    %get3A_3 = vector.shape_cast %get3A_2 : vector<1x512x2048xf32> to vector<512x2048xf32>
    %get3A_4 = arith.constant 1 : index
    %get3A_5 = arith.constant 0 : index
    %get3A_6 = arith.constant 0 : index
    %get3A_7 = vector.load %arg1[%get3A_4, %get3A_5, %get3A_6] : memref<2x512x2048xf32, #tpu.memory_space<vmem>>, vector<1x512x2048xf32>
    %get3A_8 = vector.shape_cast %get3A_7 : vector<1x512x2048xf32> to vector<512x2048xf32>
    %add3A = arith.addf %get3A_3, %get3A_8 : vector<512x2048xf32>
    %gt3A = arith.constant 0.000000e+00 : f32
    %gt3A_9 = vector.broadcast %gt3A : f32 to vector<512x2048xf32>
    %gt3A_10 = arith.cmpf ogt, %add3A, %gt3A_9 : vector<512x2048xf32>
    %convert_element_type3A = arith.extui %gt3A_10 : vector<512x2048xi1> to vector<512x2048xi32>
    %convert_element_type3A_11 = arith.sitofp %convert_element_type3A : vector<512x2048xi32> to vector<512x2048xf32>
    %swap3A = arith.constant 0 : index
    %swap3A_12 = arith.constant 0 : index
    %swap3A_13 = vector.load %arg2[%swap3A, %swap3A_12] : memref<512x2048xf32, #tpu.memory_space<vmem>>, vector<512x2048xf32>
    tpu.vector_store %arg2[%swap3A, %swap3A_12], %convert_element_type3A_11 {strides = array<i32>} : memref<512x2048xf32, #tpu.memory_space<vmem>>, vector<512x2048xf32>,
    return
  }
  func.func @transform_0(%arg0: i32) -> (i32, i32, i32) {
    %c0_i32 = arith.constant 0 : i32
    %c0_i32_0 = arith.constant 0 : i32
    %c0_i32_1 = arith.constant 0 : i32
    return %c0_i32, %arg0, %c0_i32_0 : i32, i32, i32
  }
  func.func @transform_1(%arg0: i32) -> (i32, i32) {
    %c0_i32 = arith.constant 0 : i32
    %c0_i32_0 = arith.constant 0 : i32
    return %arg0, %c0_i32 : i32, i32
  }
}

</mosaic_0001>

<sc_bundles>
// kernel: kernel.4.cloned.1.call-start
scs
__scs_entry_jumppad:
0x0: {  	(pc) =	sbr.rel $0x88, $3  }
0x1: {  	(tag) =	ssettag $0x0;
	lr =	simm.s32 $0x1  }
0x2: {  	[smem:$0x3FA0] =	sst lr;
	_ =	strace $0xD0000000  }
0x3: {  	_ = 	snop  }
0x4: {  	_ = 	snop  }
0x5: {  	_ = 	snop  }
0x6: {  	_ = 	snop  }
0x7: {  	_ = 	snop  }
__scs_overlays_trampoline_lowered:
0x8: {  	[smem:$0x3FAF] =	sst s0  }
0x9: {  	[smem:$0x3FB0] =	sst s1  }
0xa: {  	[smem:$0x3FB1] =	sst s2  }
0xb: {  	[smem:$0x3FB2] =	sst s3  }
0xc: {  	[smem:$0x3FB3] =	sst s4  }
0xd: {  	[smem:$0x3FB4] =	sst s5  }
0xe: {  	[smem:$0x3FB5] =	sst s6  }
0xf: {  	[smem:$0x3FB6] =	sst s7  }
0x10: {  	[smem:$0x3FB7] =	sst s8  }
0x11: {  	[smem:$0x3FB8] =	sst s9;
	s0 =	simm.s32 @!p0 $0x0  }
0x12: {  	s1 =	sld [smem:$0x3F9E];
	s0 =	simm.s32 @p0 $0x1  }
0x13: {  	[smem:$0x3FB9] =	sst s0;
	s0 =	simm.s32 @!p1 $0x0  }
0x14: {  	s2 =	sld [smem:$0x3F9D];
	s0 =	simm.s32 @p1 $0x1  }
0x15: {  	[smem:$0x3FBA] =	sst s0;
	s0 =	simm.s32 @!p2 $0x0  }
0x16: {  	s3 =	sld [smem:$0x3FDB];
	s0 =	simm.s32 @p2 $0x1  }
0x17: {  	s4 =	simm.s32 $0x1BF5;
	[smem:$0x3FBC] =	sst s0  }
0x18: {  	s0 =	sld [smem:$0x3F9F];
	_ =	swait.ge [sflag:s4], $0x0  }
0x19: {  	s7 =	sld [smem:$0x3FA0]  }
0x1a: {  	s8 =	sadd.s32 $0xFFFFE003, lr  }
0x1b: {  	s9 =	sadd.s32 $0xFFFFFEF7, lr;
	s5 =	simm.s32 $0xFFFFFFFF;
	p2 =	slt.u32 s8, $0xFFFFF086  }
0x1c: {  	p1 =	slt.u32 s9, $0xF7A;
	s5 =	simm.s32 @!p2 $0x0  }
0x1d: {  	s5 =	simm.s32 @p1 $0x1;
	p0 =	seq.s32 s7, s2  }
0x1e: {  	s7 =	smul.u32 @!p0 $0xF7A, s2;
	p2 =	seq.s32 @!p0 s5, $0x0  }
0x1f: {  	s9 =	smul.u32 $0xF7A, s1;
	s8 =	simm.s32 @!p0 $0x1BF5;
	p2 =	por !p2, p0  }
0x20: {  	[sflag:s8] =	ssyncset.s32 @!p0 $0xFFFFF086;
	s6 =	sadd.s32 @!p0 s3, s7;
	s7 =	simm.s32 @!p0 $0x108  }
0x21: {  	s3 =	sadd.s32 s3, s9;
	s6 =	sadd.s32 @!p0 $0x88, s6;
	s7 =	simm.s32 @p2 $0x1082  }
0x22: {  	[simem:s7], [sflag:s8] =	dma.local @!p0 [hbm:s6], $0xF7A  }
0x23: {  	s9 =	sor.u32 $0xD0000000, s2;
	s6 =	simm.s32 $0x108;
	_ =	swait.ge @!p0 [sflag:s8], $0x0  }
0x24: {  	s3 =	sadd.s32 $0x88, s3;
	s6 =	simm.s32 @!p1 $0x1082;
	[sflag:s4] =	ssyncset.s32 $0xFFFFF086  }
0x25: {  	[simem:s6], [sflag:s4] =	dma.local [hbm:s3], $0xF7A  }
0x26: {  	[smem:$0x3FA0] =	sst s1;
	(tag) =	ssettag s2;
	_ =	strace s9  }
0x27: {  	s1 =	sld [smem:$0x3FB0]  }
0x28: {  	s2 =	sld [smem:$0x3FB1]  }
0x29: {  	s4 =	sld [smem:$0x3FB3]  }
0x2a: {  	p0 =	seq.s32 s5, $0x0;
	s5 =	sld [smem:$0x3FB4]  }
0x2b: {  	s6 =	sld [smem:$0x3FB5]  }
0x2c: {  	s7 =	sld [smem:$0x3FB6]  }
0x2d: {  	s3 =	simm.s32 $0x108;
	s8 =	sld [smem:$0x3FB7]  }
0x2e: {  	s3 =	simm.s32 @!p0 $0x1082;
	s9 =	sld [smem:$0x3FB8]  }
0x2f: {  	lr =	sadd.s32 s0, s3;
	s0 =	sld [smem:$0x3FAF]  }
0x30: {  	s3 =	sld [smem:$0x3FB2]  }
0x31: {  	[smem:$0x3FBB] =	sst s10  }
0x32: {  	s10 =	sld [smem:$0x3FB9];
	_ =	sdelay $0x3  }
0x33: {  	p0 =	seq.s32 s10, $0x1;
	s10 =	sld [smem:$0x3FBB];
	_ =	sdelay $0x3  }
0x34: {  	[smem:$0x3FBB] =	sst s10  }
0x35: {  	s10 =	sld [smem:$0x3FBA];
	_ =	sdelay $0x3  }
0x36: {  	p1 =	seq.s32 s10, $0x1;
	s10 =	sld [smem:$0x3FBB];
	_ =	sdelay $0x3  }
0x37: {  	[smem:$0x3FBB] =	sst s10  }
0x38: {  	s10 =	sld [smem:$0x3FBC]  }
0x39: {  	_ = 	snop;
	(pc) =	sbr.ind lr, $3  }
0x3a: {  	_ = 	snop  }
0x3b: {  	_ = 	snop  }
0x3c: {  	p2 =	seq.s32 s10, $0x1;
	s10 =	sld [smem:$0x3FBB]  }
0x3d: {  	_ =	shalt  }
0x3e: {  	_ =	shalt  }
0x3f: {  	_ =	shalt  }
0x40: {  	_ =	shalt  }
0x41: {  	_ =	shalt  }
0x42: {  	_ =	shalt  }
0x43: {  	_ =	shalt  }
0x44: {  	_ =	shalt  }
0x45: {  	_ =	shalt  }
0x46: {  	_ =	shalt  }
0x47: {  	_ =	shalt  }
0x48: {  	_ =	shalt  }
0x49: {  	_ =	shalt  }
0x4a: {  	_ =	shalt  }
0x4b: {  	_ =	shalt  }
0x4c: {  	_ =	shalt  }
0x4d: {  	_ =	shalt  }
0x4e: {  	_ =	shalt  }
0x4f: {  	_ =	shalt  }
0x50: {  	_ =	shalt  }
0x51: {  	_ =	shalt  }
0x52: {  	_ =	shalt  }
0x53: {  	_ =	shalt  }
0x54: {  	_ =	shalt  }
0x55: {  	_ =	shalt  }
0x56: {  	_ =	shalt  }
0x57: {  	_ =	shalt  }
0x58: {  	_ =	shalt  }
0x59: {  	_ =	shalt  }
0x5a: {  	_ =	shalt  }
0x5b: {  	_ =	shalt  }
0x5c: {  	_ =	shalt  }
0x5d: {  	_ =	shalt  }
0x5e: {  	_ =	shalt  }
0x5f: {  	_ =	shalt  }
0x60: {  	_ =	shalt  }
0x61: {  	_ =	shalt  }
0x62: {  	_ =	shalt  }
0x63: {  	_ =	shalt  }
0x64: {  	_ =	shalt  }
0x65: {  	_ =	shalt  }
0x66: {  	_ =	shalt  }
0x67: {  	_ =	shalt  }
0x68: {  	_ =	shalt  }
0x69: {  	_ =	shalt  }
0x6a: {  	_ =	shalt  }
0x6b: {  	_ =	shalt  }
0x6c: {  	_ =	shalt  }
0x6d: {  	_ =	shalt  }
0x6e: {  	_ =	shalt  }
0x6f: {  	_ =	shalt  }
0x70: {  	_ =	shalt  }
0x71: {  	_ =	shalt  }
0x72: {  	_ =	shalt  }
0x73: {  	_ =	shalt  }
0x74: {  	_ =	shalt  }
0x75: {  	_ =	shalt  }
0x76: {  	_ =	shalt  }
0x77: {  	_ =	shalt  }
0x78: {  	_ =	shalt  }
0x79: {  	_ =	shalt  }
0x7a: {  	_ =	shalt  }
0x7b: {  	_ =	shalt  }
0x7c: {  	_ =	shalt  }
0x7d: {  	_ =	shalt  }
0x7e: {  	_ =	shalt  }
0x7f: {  	_ =	shalt  }
0x80: {  	_ =	shalt  }
0x81: {  	_ =	shalt  }
0x82: {  	_ =	shalt  }
0x83: {  	_ =	shalt  }
0x84: {  	_ =	shalt  }
0x85: {  	_ =	shalt  }
0x86: {  	_ =	shalt  }
0x87: {  	_ =	shalt  }
.Lfunc_end0:
.L_simem_size_0:
called_computation_lowered:
.L_overlay_start_0:
0x88: {  	s2 =	sld [smem:$0x3FD9]  }
0x89: {  	s3 =	sld [smem:$0x3FFE];
	_ =	sdelay $0x1  }
0x8a: {  	s1 =	srdreg.scid  }
0x8b: {  	s0 =	sand.u32 $0x1, s1  }
0x8c: {  	s17 =	sshll.u32 s0, $0xA;
	s2 =	sadd.s32 s3, s2  }
0x8d: {  	s2 =	sadd.s32 s2, s17  }
0x8e: {  	[smem:$0x3FC7] =	sst s2  }
0x8f: {  	_ = 	snop  }
0x90: {  	s2 =	sld [smem:$0x3FC9];
	(tm) =	ssettm $0x1  }
0x91: {  	s18 =	sld [smem:$0x3FFB];
	_ =	sdelay $0x3  }
0x92: {  	_ =	strace s18  }
0x93: {  	s3 =	sld [smem:$0x3FFC];
	_ =	sdelay $0x3  }
0x94: {  	_ =	strace s3  }
0x95: {  	s3 =	sld [smem:$0x3FFD];
	_ =	sdelay $0x3  }
0x96: {  	_ =	strace s3  }
0x97: {  	_ =	strace $0x8FFFFFFF  }
0x98: {  	s19 =	sld [smem:$0x3FDB];
	_ =	sdelay $0x1  }
0x99: {  	s4 =	simm.s32 $_scs_section_size  }
0x9a: {  	s5 =	simm.s32 $_size__tile_overlayer_lowered;
	s6 =	simm.s32 $_tile_overlayer_lowered  }
0x9b: {  	s22 =	simm.s32 $0x1BFF;
	s21 =	sshll.u32 s6, $0x1;
	s3 =	sadd.s32 s4, s19  }
0x9c: {  	s7 =	simm.s32 $0x0;
	s20 =	sshll.u32 s5, $0x1;
	s5 =	sadd.s32 s21, s3  }
0x9d: {  	[timem:s7], [sflag:s22] =	dma.local [hbm:s5], s20  }
0x9e: {  	_ =	swait.ge [sflag:s22], s20  }
0x9f: {  	s4 =	ssub.s32 $0x0, s20;
	[sflag:s22] =	ssyncset.done $0x0  }
0xa0: {  	[sflag:s22] =	ssyncadd.s32 s4;
	_ =	sdelay $0x1  }
0xa1: {  	s23 =	simm.s32 $0x1B8B  }
0xa2: {  	_ =	swait.ge [sflag:s23], $0x1  }
0xa3: {  	[sflag:s23] =	ssyncset.done $0x0  }
0xa4: {  	s25 =	simm.s32 $0x1B8E;
	s24 =	sld [smem:$0x3FFE];
	[sflag:s23] =	ssyncadd.s32 $0xFFFFFFFF  }
0xa5: {  	s26 =	simm.s32 $execute0_lowered;
	[smem:$0x3FD2] =	sst s25  }
0xa6: {  	s5 =	sshll.u32 s26, $0x1;
	_ =	strace $0x80000046;
	[dreg:$0x1] =	wrdreg $0xFFFFFFFF  }
0xa7: {  	s28 =	simm.s32 $_size_execute0_lowered;
	s3 =	sadd.s32 s3, s5;
	[dreg:$0x0] =	wrdreg $0x0  }
0xa8: {  	s5 =	sshll.u32 s28, $0x1;
	[dreg:$0x2] =	wrdreg s3  }
0xa9: {  	[dreg:$0x3] =	wrdreg s5  }
0xaa: {  	[dreg:$0x4] =	wrdreg $0xC0  }
0xab: {  	_ =	task [dreg:s7], $0x5FFFF  }
0xac: {  	[dreg:$0x1] =	wrdreg $0xFFFFFFFF  }
0xad: {  	[dreg:$0x0] =	wrdreg $0x60  }
0xae: {  	[dreg:$0x2] =	wrdreg s2  }
0xaf: {  	[dreg:$0x3] =	wrdreg s24  }
0xb0: {  	[dreg:$0x4] =	wrdreg $0x9  }
0xb1: {  	_ =	task.clear_ibuf [dreg:s7], $0x5FFFF;
	_ =	strace $0x90000046  }
0xb2: {  	s29 =	simm.s32 $0x9;
	_ =	strace $0x80000048  }
0xb3: {  	_ =	swait.ge [sflag:s29], $0x1  }
0xb4: {  	[sflag:s29] =	ssyncadd.s32 $0xFFFFFFFF  }
0xb5: {  	_ =	strace $0x90000048  }
0xb6: {  	_ =	sfence  }
0xb7: {  	s30 =	sld [smem:$0x0];
	_ =	sdelay $0x2  }
0xb8: {  	s31 =	sshll.u32 s1, $0xD;
	s1 =	sshrl.u32 s1, $0x2  }
0xb9: {  	s3 =	sand.u32 $0x4000, s31;
	s1 =	sadd.s32 s1, s30  }
0xba: {  	s0 =	sor.u32 s3, s0;
	s1 =	sshll.u32 s1, $0x11  }
0xbb: {  	s0 =	sor.u32 s1, s0  }
0xbc: {  	s0 =	sadd.s32 $0x8F2B, s0  }
0xbd: {  	[sflag:s0] =	ssyncadd.remote.s32 $0x1  }
0xbe: {  	_ =	sfence.sel $0xFFFF  }
0xbf: {  	[dreg:$0x0] =	wrdreg $0xFFFFFFFF;
	(pc) =	sbr.abs _section_cstart, $3  }
0xc0: {  	[dreg:$0x1] =	wrdreg $0xFFFFFFFF  }
0xc1: {  	_ =	task.clear_ibuf [dreg:s7], $0x2FFFF;
	_ =	strace $0x9FFFFFFF  }
0xc2: {  	(tm) =	ssettm $0x7FFFFFFF  }
0xc3: {  	_ =	shalt  }
tec
execute0_lowered:
.L_overlay_start_1:
0x0: {  	(tag) =	ssettag $0x1  }
0x1: {  	s2 =	rddreg [dreg:$0x0]  }
0x2: {  	s0 =	srdreg.scid;
	s3 =	stileid.u32  }
0x3: {  	s1 =	rddreg [dreg:$0x1];
	s14 =	simm.s32 $0x8000;
	s15 =	simm.s32 $0x4000  }
0x4: {  	s16 =	simm.s32 $0xC000;
	s17 =	simm.s32 $0x1;
	s18 =	simm.s32 $0x10000  }
0x5: {  	s19 =	simm.s32 $0x2;
	s20 =	simm.s32 $0x14000;
	s21 =	simm.s32 $0x3  }
0x6: {  	s22 =	simm.s32 $0x4;
	s0 =	sand.u32 $0x1, s0;
	s4 =	sshll.u32 s3, $0x1  }
0x7: {  	s23 =	simm.s32 $0x0;
	s3 =	simm.s32 $0x0;
	s8 =	sor.u32 s0, s4  }
0x8: {  	s5 =	sadd.s32 $0x400, s1;
	[smem:$0x7FF] =	sst s3;
	s4 =	smul.u32 $0x30, s8  }
0x9: {  	s0 =	ssub.s32 $0x2, s0;
	_ =	strace $0x80000047;
	s12 =	smul.u32 $0x3000, s8  }
0xa: {  	s28 =	sshrl.u32 s0, $0x1;
	s10 =	sadd.s32 $0xA00, s4;
	s4 =	smul.u32 $0x18000, s8  }
.Ltmp0:
0xb: {  	s0 =	ssub.s32 s0, s28;
	s31 =	sadd.s32 s12, s5;
	(pc) =	sbr.rel .LBB2_1-.Ltmp0, $4  }
0xc: {  	s12 =	smax.u32 s0, $0x1;
	s6 =	sshll.u32 s10, $0x8;
	s30 =	sshrl.u32 s10, $0x3  }
0xd: {  	s13 =	sadd.s32 $0x800, s31;
	s6 =	sadd.s32 s2, s6;
	s29 =	sshrl.u32 s4, $0x3  }
0xe: {  	s10 =	sadd.s32 $0x2, s30;
	s11 =	sadd.s32 $0x3, s30;
	s1 =	sadd.s32 s2, s29  }
0xf: {  	v0 =	vimm.f32 $0.0e+00;
	s7 =	sadd.s32 $0x100000, s6;
	s8 =	sadd.s32 $0xA0800, s1;
	s9 =	sadd.s32 $0x1A0800, s1  }
.LBB2_36:
0x10: {  	s23 =	sadd.s32 $0x1, s23  }
0x11: {  	_ =	swait.ge [sflag:s21], $0x4000;
	p0 =	sne.s32 s23, s12  }
.Ltmp1:
0x12: {  	[sflag:s21] =	ssyncset.done $0x0;
	(pc) =	sbr.rel @!p0 .LBB2_37-.Ltmp1, $4  }
0x13: {  	[sflag:s21] =	ssyncadd.s32 $0xFFFFC000  }
0x14: {  	_ =	swait.ge [sflag:s22], $0x4000  }
0x15: {  	[sflag:s22] =	ssyncset.done $0x0  }
0x16: {  	[sflag:s22] =	ssyncadd.s32 $0xFFFFC000  }
.LBB2_1:
0x17: {  	[tilespmem:s3], [sflag:$0x1] =	stream.linear.gather [hbm4b:s6+s3], $0x4000, $0x38;
	[tilespmem:$0x18000] =	vst v63  }
0x18: {  	_ = 	snop  }
0x19: {  	[tilespmem:s14], [sflag:$0x1] =	stream.linear.gather [hbm4b:s7+s3], $0x4000, $0x38;
	[tilespmem:$0x18000] =	vst v63  }
0x1a: {  	_ = 	snop  }
0x1b: {  	[tilespmem:s15], [sflag:$0x2] =	stream.linear.gather [hbm4b:s8+s3], $0x4000, $0x38;
	[tilespmem:$0x18000] =	vst v63  }
0x1c: {  	s24 =	simm.s32 $0x0  }
0x1d: {  	[tilespmem:s16], [sflag:$0x2] =	stream.linear.gather [hbm4b:s9+s3], $0x4000, $0x38;
	[tilespmem:$0x18000] =	vst v63  }
.LBB2_2:
0x1e: {  	_ =	swait.ge [sflag:s17], $0x4000  }
0x1f: {  	[sflag:s17] =	ssyncset.done $0x0  }
0x20: {  	[sflag:s17] =	ssyncadd.s32 $0xFFFFC000  }
0x21: {  	_ =	swait.ge [sflag:s17], $0x4000  }
0x22: {  	p0 =	seq.s32 s24, $0x0;
	[sflag:s17] =	ssyncset.done $0x0  }
0x23: {  	s0 =	simm.s32 @!p0 $0x3;
	[sflag:s17] =	ssyncadd.s32 $0xFFFFC000  }
0x24: {  	_ =	swait.ge @!p0 [sflag:s0], $0x4000  }
0x25: {  	[sflag:s0] =	ssyncset.done @!p0 $0x0  }
0x26: {  	[sflag:s0] =	ssyncadd.s32 @!p0 $0xFFFFC000;
	s0 =	simm.s32 $0x40  }
0x27: {  	s30 =	simm.s32 $0x8040;
	v2 =	vld [tilespmem:s0+$0x30]  }
0x28: {  	v3 =	vld [tilespmem:s30+$0x30]  }
0x29: {  	v1 =	vld [tilespmem:s30+$0xFFFFFFC0]  }
0x2a: {  	v4 =	vld [tilespmem:s0+$0xFFFFFFD0]  }
0x2b: {  	v5 =	vld [tilespmem:s30+$0xFFFFFFD0]  }
0x2c: {  	v6 =	vld [tilespmem:s0+$0xFFFFFFE0]  }
0x2d: {  	v7 =	vld [tilespmem:s30+$0xFFFFFFE0]  }
0x2e: {  	v8 =	vld [tilespmem:s0+$0xFFFFFFF0]  }
0x2f: {  	v9 =	vld [tilespmem:s30+$0xFFFFFFF0]  }
0x30: {  	v10 =	vld [tilespmem:s0+$0x0];
	v2 =	vadd.f32 v3, v2  }
0x31: {  	v11 =	vld [tilespmem:s30+$0x0];
	v3 =	vadd.f32 v5, v4  }
0x32: {  	v5 =	vadd.f32 v7, v6;
	v4 =	vld [tilespmem:s30+$0x10];
	vm0 =	vgt.f32 v2, $0.0e+00  }
0x33: {  	s28 =	simm.s32 $0x10040;
	v2 =	vld [tilespmem:s0+$0x10];
	v6 =	vsel vm0, $0x3F800000, v0;
	vm0 =	vgt.f32 v3, $0.0e+00  }
0x34: {  	v7 =	vadd.f32 v9, v8;
	v3 =	vld [tilespmem:s0+$0x20];
	[tilespmem:s28+$0x30] =	vst v6;
	v6 =	vsel vm0, $0x3F800000, v0;
	vm0 =	vgt.f32 v5, $0.0e+00  }
0x35: {  	s25 =	sshll.u32 s24, $0x1;
	s31 =	simm.s32 $0x0;
	s26 =	simm.s32 $0x100F0;
	[tilespmem:s28+$0xFFFFFFD0] =	vst v6;
	v8 =	vsel vm0, $0x3F800000, v0;
	v6 =	vld [tilespmem:s30+$0x20]  }
0x36: {  	s29 =	simm.s32 $0x80F0;
	s1 =	simm.s32 $0xF0;
	v5 =	vld [tilespmem:s0+$0xFFFFFFC0];
	s0 =	simm.s32 $0x440;
	vm0 =	vgt.f32 v7, $0.0e+00;
	v7 =	vadd.f32 v11, v10;
	[tilespmem:s28+$0xFFFFFFE0] =	vst v8  }
.LBB2_3:
0x37: {  	v8 =	vld [tilespmem:s0+$0x30];
	v9 =	vsel vm0, $0x3F800000, v0;
	s30 =	sadd.s32 $0x400, s30  }
0x38: {  	s31 =	sadd.s32 $0x80, s31;
	v10 =	vld [tilespmem:s30+$0x30];
	[tilespmem:s28+$0xFFFFFFF0] =	vst v9;
	vm0 =	vgt.f32 v7, $0.0e+00;
	v2 =	vadd.f32 v4, v2  }
0x39: {  	p1 =	slt.u32 s31, $0x780;
	v4 =	vld [tilespmem:s30+$0xFFFFFFC0];
	v7 =	vsel vm0, $0x3F800000, v0  }
0x3a: {  	v9 =	vld [tilespmem:s0+$0xFFFFFFD0];
	[tilespmem:s28+$0x0] =	vst v7;
	vm0 =	vgt.f32 v2, $0.0e+00;
	v2 =	vadd.f32 v6, v3  }
0x3b: {  	v3 =	vld [tilespmem:s30+$0xFFFFFFD0];
	v11 =	vadd.f32 v1, v5;
	v5 =	vsel vm0, $0x3F800000, v0  }
0x3c: {  	v6 =	vld [tilespmem:s0+$0xFFFFFFE0];
	[tilespmem:s28+$0x10] =	vst v5;
	vm0 =	vgt.f32 v2, $0.0e+00  }
0x3d: {  	v2 =	vld [tilespmem:s30+$0xFFFFFFE0];
	v5 =	vadd.f32 v10, v8;
	vm1 =	vgt.f32 v11, $0.0e+00;
	v10 =	vsel vm0, $0x3F800000, v0  }
0x3e: {  	v7 =	vld [tilespmem:s0+$0xFFFFFFF0];
	v8 =	vsel vm1, $0x3F800000, v0;
	[tilespmem:s28+$0x20] =	vst v10;
	v1 =	vmov v4  }
0x3f: {  	v10 =	vld [tilespmem:s30+$0xFFFFFFF0];
	vm0 =	vgt.f32 v5, $0.0e+00;
	[tilespmem:s28+$0xFFFFFFC0] =	vst v8  }
0x40: {  	s28 =	sadd.s32 $0x400, s28;
	v3 =	vadd.f32 v3, v9;
	v8 =	vld [tilespmem:s0+$0x0];
	v4 =	vsel vm0, $0x3F800000, v0  }
0x41: {  	v9 =	vld [tilespmem:s30+$0x0];
	[tilespmem:s28+$0x30] =	vst v4  }
.Ltmp2:
0x42: {  	vm0 =	vgt.f32 v3, $0.0e+00;
	v3 =	vadd.f32 v2, v6;
	v2 =	vld [tilespmem:s0+$0x10];
	(pc) =	sbr.rel @p1 .LBB2_3-.Ltmp2, $4  }
0x43: {  	v5 =	vsel vm0, $0x3F800000, v0;
	v4 =	vld [tilespmem:s30+$0x10]  }
0x44: {  	[tilespmem:s28+$0xFFFFFFD0] =	vst v5;
	vm0 =	vgt.f32 v3, $0.0e+00;
	v7 =	vadd.f32 v10, v7;
	v3 =	vld [tilespmem:s0+$0x20]  }
0x45: {  	v10 =	vsel vm0, $0x3F800000, v0;
	v6 =	vld [tilespmem:s30+$0x20]  }
0x46: {  	v5 =	vld [tilespmem:s0+$0xFFFFFFC0];
	[tilespmem:s28+$0xFFFFFFE0] =	vst v10;
	vm0 =	vgt.f32 v7, $0.0e+00;
	v7 =	vadd.f32 v9, v8;
	s0 =	sadd.s32 $0x400, s0  }
0x47: {  	_ =	sdelay $0x1  }
0x48: {  	v2 =	vadd.f32 v4, v2  }
0x49: {  	v4 =	vsel vm0, $0x3F800000, v0;
	vm0 =	vgt.f32 v7, $0.0e+00;
	v3 =	vadd.f32 v6, v3  }
0x4a: {  	[tilespmem:s28+$0xFFFFFFF0] =	vst v4;
	v4 =	vsel vm0, $0x3F800000, v0;
	vm0 =	vgt.f32 v2, $0.0e+00;
	v1 =	vadd.f32 v1, v5  }
0x4b: {  	[tilespmem:s28+$0x0] =	vst v4;
	v2 =	vsel vm0, $0x3F800000, v0;
	vm0 =	vgt.f32 v3, $0.0e+00  }
0x4c: {  	[tilespmem:s28+$0x10] =	vst v2;
	vm1 =	vgt.f32 v1, $0.0e+00;
	v1 =	vsel vm0, $0x3F800000, v0  }
0x4d: {  	v2 =	vsel vm1, $0x3F800000, v0;
	[tilespmem:s28+$0x20] =	vst v1  }
0x4e: {  	[tilespmem:s28+$0xFFFFFFC0] =	vst v2  }
0x4f: {  	v2 =	vld [tilespmem:s1+$0x0]  }
0x50: {  	v3 =	vld [tilespmem:s29+$0x0]  }
0x51: {  	v1 =	vld [tilespmem:s29+$0xFFFFFF90]  }
0x52: {  	v4 =	vld [tilespmem:s1+$0xFFFFFFA0]  }
0x53: {  	v5 =	vld [tilespmem:s29+$0xFFFFFFA0]  }
0x54: {  	v6 =	vld [tilespmem:s1+$0xFFFFFFB0]  }
0x55: {  	v7 =	vld [tilespmem:s29+$0xFFFFFFB0]  }
0x56: {  	v8 =	vld [tilespmem:s1+$0xFFFFFFC0]  }
0x57: {  	v9 =	vld [tilespmem:s29+$0xFFFFFFC0]  }
0x58: {  	v10 =	vld [tilespmem:s1+$0xFFFFFFD0];
	v2 =	vadd.f32 v3, v2  }
0x59: {  	v11 =	vld [tilespmem:s29+$0xFFFFFFD0];
	v3 =	vadd.f32 v5, v4  }
0x5a: {  	v5 =	vadd.f32 v7, v6;
	v4 =	vld [tilespmem:s29+$0xFFFFFFE0];
	vm0 =	vgt.f32 v2, $0.0e+00  }
0x5b: {  	v2 =	vld [tilespmem:s1+$0xFFFFFFE0];
	v6 =	vsel vm0, $0x3F800000, v0;
	vm0 =	vgt.f32 v3, $0.0e+00  }
0x5c: {  	v7 =	vadd.f32 v9, v8;
	v3 =	vld [tilespmem:s1+$0xFFFFFFF0];
	[tilespmem:s26+$0x0] =	vst v6;
	v6 =	vsel vm0, $0x3F800000, v0;
	vm0 =	vgt.f32 v5, $0.0e+00  }
0x5d: {  	s0 =	simm.s32 $0x0;
	s31 =	simm.s32 $0x170;
	[tilespmem:s26+$0xFFFFFFA0] =	vst v6;
	v8 =	vsel vm0, $0x3F800000, v0;
	v6 =	vld [tilespmem:s29+$0xFFFFFFF0]  }
0x5e: {  	s30 =	simm.s32 $0x8170;
	s28 =	simm.s32 $0x10170;
	v5 =	vld [tilespmem:s1+$0xFFFFFF90];
	s1 =	simm.s32 $0x4F0;
	vm0 =	vgt.f32 v7, $0.0e+00;
	v7 =	vadd.f32 v11, v10;
	[tilespmem:s26+$0xFFFFFFB0] =	vst v8  }
.LBB2_5:
0x5f: {  	v8 =	vld [tilespmem:s1+$0x0];
	v9 =	vsel vm0, $0x3F800000, v0;
	s29 =	sadd.s32 $0x400, s29  }
0x60: {  	s0 =	sadd.s32 $0x80, s0;
	v10 =	vld [tilespmem:s29+$0x0];
	[tilespmem:s26+$0xFFFFFFC0] =	vst v9;
	vm0 =	vgt.f32 v7, $0.0e+00;
	v2 =	vadd.f32 v4, v2  }
0x61: {  	p1 =	slt.u32 s0, $0x780;
	v4 =	vld [tilespmem:s29+$0xFFFFFF90];
	v7 =	vsel vm0, $0x3F800000, v0  }
0x62: {  	v9 =	vld [tilespmem:s1+$0xFFFFFFA0];
	[tilespmem:s26+$0xFFFFFFD0] =	vst v7;
	vm0 =	vgt.f32 v2, $0.0e+00;
	v2 =	vadd.f32 v6, v3  }
0x63: {  	v3 =	vld [tilespmem:s29+$0xFFFFFFA0];
	v11 =	vadd.f32 v1, v5;
	v5 =	vsel vm0, $0x3F800000, v0  }
0x64: {  	v6 =	vld [tilespmem:s1+$0xFFFFFFB0];
	[tilespmem:s26+$0xFFFFFFE0] =	vst v5;
	vm0 =	vgt.f32 v2, $0.0e+00  }
0x65: {  	v2 =	vld [tilespmem:s29+$0xFFFFFFB0];
	v5 =	vadd.f32 v10, v8;
	vm1 =	vgt.f32 v11, $0.0e+00;
	v10 =	vsel vm0, $0x3F800000, v0  }
0x66: {  	v7 =	vld [tilespmem:s1+$0xFFFFFFC0];
	v8 =	vsel vm1, $0x3F800000, v0;
	[tilespmem:s26+$0xFFFFFFF0] =	vst v10;
	v1 =	vmov v4  }
0x67: {  	v10 =	vld [tilespmem:s29+$0xFFFFFFC0];
	vm0 =	vgt.f32 v5, $0.0e+00;
	[tilespmem:s26+$0xFFFFFF90] =	vst v8  }
0x68: {  	s26 =	sadd.s32 $0x400, s26;
	v3 =	vadd.f32 v3, v9;
	v8 =	vld [tilespmem:s1+$0xFFFFFFD0];
	v4 =	vsel vm0, $0x3F800000, v0  }
0x69: {  	v9 =	vld [tilespmem:s29+$0xFFFFFFD0];
	[tilespmem:s26+$0x0] =	vst v4  }
.Ltmp3:
0x6a: {  	vm0 =	vgt.f32 v3, $0.0e+00;
	v3 =	vadd.f32 v2, v6;
	v2 =	vld [tilespmem:s1+$0xFFFFFFE0];
	(pc) =	sbr.rel @p1 .LBB2_5-.Ltmp3, $4  }
0x6b: {  	v5 =	vsel vm0, $0x3F800000, v0;
	v4 =	vld [tilespmem:s29+$0xFFFFFFE0]  }
0x6c: {  	[tilespmem:s26+$0xFFFFFFA0] =	vst v5;
	vm0 =	vgt.f32 v3, $0.0e+00;
	v7 =	vadd.f32 v10, v7;
	v3 =	vld [tilespmem:s1+$0xFFFFFFF0]  }
0x6d: {  	v10 =	vsel vm0, $0x3F800000, v0;
	v6 =	vld [tilespmem:s29+$0xFFFFFFF0]  }
0x6e: {  	v5 =	vld [tilespmem:s1+$0xFFFFFF90];
	[tilespmem:s26+$0xFFFFFFB0] =	vst v10;
	vm0 =	vgt.f32 v7, $0.0e+00;
	v7 =	vadd.f32 v9, v8;
	s1 =	sadd.s32 $0x400, s1  }
0x6f: {  	_ =	sdelay $0x1  }
0x70: {  	v2 =	vadd.f32 v4, v2  }
0x71: {  	v4 =	vsel vm0, $0x3F800000, v0;
	vm0 =	vgt.f32 v7, $0.0e+00;
	v3 =	vadd.f32 v6, v3  }
0x72: {  	[tilespmem:s26+$0xFFFFFFC0] =	vst v4;
	v4 =	vsel vm0, $0x3F800000, v0;
	vm0 =	vgt.f32 v2, $0.0e+00;
	v1 =	vadd.f32 v1, v5  }
0x73: {  	[tilespmem:s26+$0xFFFFFFD0] =	vst v4;
	v2 =	vsel vm0, $0x3F800000, v0;
	vm0 =	vgt.f32 v3, $0.0e+00  }
0x74: {  	[tilespmem:s26+$0xFFFFFFE0] =	vst v2;
	vm1 =	vgt.f32 v1, $0.0e+00;
	v1 =	vsel vm0, $0x3F800000, v0  }
0x75: {  	v2 =	vsel vm1, $0x3F800000, v0;
	[tilespmem:s26+$0xFFFFFFF0] =	vst v1  }
0x76: {  	[tilespmem:s26+$0xFFFFFF90] =	vst v2  }
0x77: {  	v2 =	vld [tilespmem:s31+$0x0]  }
0x78: {  	v3 =	vld [tilespmem:s30+$0x0]  }
0x79: {  	v1 =	vld [tilespmem:s30+$0xFFFFFF90]  }
0x7a: {  	v4 =	vld [tilespmem:s31+$0xFFFFFFA0]  }
0x7b: {  	v5 =	vld [tilespmem:s30+$0xFFFFFFA0]  }
0x7c: {  	v6 =	vld [tilespmem:s31+$0xFFFFFFB0]  }
0x7d: {  	v7 =	vld [tilespmem:s30+$0xFFFFFFB0]  }
0x7e: {  	v8 =	vld [tilespmem:s31+$0xFFFFFFC0]  }
0x7f: {  	v9 =	vld [tilespmem:s30+$0xFFFFFFC0]  }
0x80: {  	v10 =	vld [tilespmem:s31+$0xFFFFFFD0];
	v2 =	vadd.f32 v3, v2  }
0x81: {  	v11 =	vld [tilespmem:s30+$0xFFFFFFD0];
	v3 =	vadd.f32 v5, v4  }
0x82: {  	v5 =	vadd.f32 v7, v6;
	v4 =	vld [tilespmem:s30+$0xFFFFFFE0];
	vm0 =	vgt.f32 v2, $0.0e+00  }
0x83: {  	v2 =	vld [tilespmem:s31+$0xFFFFFFE0];
	v6 =	vsel vm0, $0x3F800000, v0;
	vm0 =	vgt.f32 v3, $0.0e+00  }
0x84: {  	v7 =	vadd.f32 v9, v8;
	v3 =	vld [tilespmem:s31+$0xFFFFFFF0];
	[tilespmem:s28+$0x0] =	vst v6;
	v6 =	vsel vm0, $0x3F800000, v0;
	vm0 =	vgt.f32 v5, $0.0e+00  }
0x85: {  	s0 =	simm.s32 $0x0;
	s29 =	simm.s32 $0x81F0;
	[tilespmem:s28+$0xFFFFFFA0] =	vst v6;
	v8 =	vsel vm0, $0x3F800000, v0;
	v6 =	vld [tilespmem:s30+$0xFFFFFFF0]  }
0x86: {  	s1 =	simm.s32 $0x1F0;
	s26 =	simm.s32 $0x101F0;
	v5 =	vld [tilespmem:s31+$0xFFFFFF90];
	s31 =	simm.s32 $0x570;
	vm0 =	vgt.f32 v7, $0.0e+00;
	v7 =	vadd.f32 v11, v10;
	[tilespmem:s28+$0xFFFFFFB0] =	vst v8  }
.LBB2_7:
0x87: {  	v8 =	vld [tilespmem:s31+$0x0];
	v9 =	vsel vm0, $0x3F800000, v0;
	s30 =	sadd.s32 $0x400, s30  }
0x88: {  	s0 =	sadd.s32 $0x80, s0;
	v10 =	vld [tilespmem:s30+$0x0];
	[tilespmem:s28+$0xFFFFFFC0] =	vst v9;
	vm0 =	vgt.f32 v7, $0.0e+00;
	v2 =	vadd.f32 v4, v2  }
0x89: {  	p1 =	slt.u32 s0, $0x780;
	v4 =	vld [tilespmem:s30+$0xFFFFFF90];
	v7 =	vsel vm0, $0x3F800000, v0  }
0x8a: {  	v9 =	vld [tilespmem:s31+$0xFFFFFFA0];
	[tilespmem:s28+$0xFFFFFFD0] =	vst v7;
	vm0 =	vgt.f32 v2, $0.0e+00;
	v2 =	vadd.f32 v6, v3  }
0x8b: {  	v3 =	vld [tilespmem:s30+$0xFFFFFFA0];
	v11 =	vadd.f32 v1, v5;
	v5 =	vsel vm0, $0x3F800000, v0  }
0x8c: {  	v6 =	vld [tilespmem:s31+$0xFFFFFFB0];
	[tilespmem:s28+$0xFFFFFFE0] =	vst v5;
	vm0 =	vgt.f32 v2, $0.0e+00  }
0x8d: {  	v2 =	vld [tilespmem:s30+$0xFFFFFFB0];
	v5 =	vadd.f32 v10, v8;
	vm1 =	vgt.f32 v11, $0.0e+00;
	v10 =	vsel vm0, $0x3F800000, v0  }
0x8e: {  	v7 =	vld [tilespmem:s31+$0xFFFFFFC0];
	v8 =	vsel vm1, $0x3F800000, v0;
	[tilespmem:s28+$0xFFFFFFF0] =	vst v10;
	v1 =	vmov v4  }
0x8f: {  	v10 =	vld [tilespmem:s30+$0xFFFFFFC0];
	vm0 =	vgt.f32 v5, $0.0e+00;
	[tilespmem:s28+$0xFFFFFF90] =	vst v8  }
0x90: {  	s28 =	sadd.s32 $0x400, s28;
	v3 =	vadd.f32 v3, v9;
	v8 =	vld [tilespmem:s31+$0xFFFFFFD0];
	v4 =	vsel vm0, $0x3F800000, v0  }
0x91: {  	v9 =	vld [tilespmem:s30+$0xFFFFFFD0];
	[tilespmem:s28+$0x0] =	vst v4  }
.Ltmp4:
0x92: {  	vm0 =	vgt.f32 v3, $0.0e+00;
	v3 =	vadd.f32 v2, v6;
	v2 =	vld [tilespmem:s31+$0xFFFFFFE0];
	(pc) =	sbr.rel @p1 .LBB2_7-.Ltmp4, $4  }
0x93: {  	v5 =	vsel vm0, $0x3F800000, v0;
	v4 =	vld [tilespmem:s30+$0xFFFFFFE0]  }
0x94: {  	[tilespmem:s28+$0xFFFFFFA0] =	vst v5;
	vm0 =	vgt.f32 v3, $0.0e+00;
	v7 =	vadd.f32 v10, v7;
	v3 =	vld [tilespmem:s31+$0xFFFFFFF0]  }
0x95: {  	v10 =	vsel vm0, $0x3F800000, v0;
	v6 =	vld [tilespmem:s30+$0xFFFFFFF0]  }
0x96: {  	v5 =	vld [tilespmem:s31+$0xFFFFFF90];
	[tilespmem:s28+$0xFFFFFFB0] =	vst v10;
	vm0 =	vgt.f32 v7, $0.0e+00;
	v7 =	vadd.f32 v9, v8;
	s31 =	sadd.s32 $0x400, s31  }
0x97: {  	_ =	sdelay $0x1  }
0x98: {  	v2 =	vadd.f32 v4, v2  }
0x99: {  	v4 =	vsel vm0, $0x3F800000, v0;
	vm0 =	vgt.f32 v7, $0.0e+00;
	v3 =	vadd.f32 v6, v3  }
0x9a: {  	[tilespmem:s28+$0xFFFFFFC0] =	vst v4;
	v4 =	vsel vm0, $0x3F800000, v0;
	vm0 =	vgt.f32 v2, $0.0e+00;
	v1 =	vadd.f32 v1, v5  }
0x9b: {  	[tilespmem:s28+$0xFFFFFFD0] =	vst v4;
	v2 =	vsel vm0, $0x3F800000, v0;
	vm0 =	vgt.f32 v3, $0.0e+00  }
0x9c: {  	[tilespmem:s28+$0xFFFFFFE0] =	vst v2;
	vm1 =	vgt.f32 v1, $0.0e+00;
	v1 =	vsel vm0, $0x3F800000, v0  }
0x9d: {  	v2 =	vsel vm1, $0x3F800000, v0;
	[tilespmem:s28+$0xFFFFFFF0] =	vst v1  }
0x9e: {  	[tilespmem:s28+$0xFFFFFF90] =	vst v2  }
0x9f: {  	v2 =	vld [tilespmem:s1+$0x0]  }
0xa0: {  	v3 =	vld [tilespmem:s29+$0x0]  }
0xa1: {  	v1 =	vld [tilespmem:s29+$0xFFFFFF90]  }
0xa2: {  	v4 =	vld [tilespmem:s1+$0xFFFFFFA0]  }
0xa3: {  	v5 =	vld [tilespmem:s29+$0xFFFFFFA0]  }
0xa4: {  	v6 =	vld [tilespmem:s1+$0xFFFFFFB0]  }
0xa5: {  	v7 =	vld [tilespmem:s29+$0xFFFFFFB0]  }
0xa6: {  	v8 =	vld [tilespmem:s1+$0xFFFFFFC0]  }
0xa7: {  	v9 =	vld [tilespmem:s29+$0xFFFFFFC0]  }
0xa8: {  	v10 =	vld [tilespmem:s1+$0xFFFFFFD0];
	v2 =	vadd.f32 v3, v2  }
0xa9: {  	v11 =	vld [tilespmem:s29+$0xFFFFFFD0];
	v3 =	vadd.f32 v5, v4  }
0xaa: {  	v5 =	vadd.f32 v7, v6;
	v4 =	vld [tilespmem:s29+$0xFFFFFFE0];
	vm0 =	vgt.f32 v2, $0.0e+00  }
0xab: {  	v2 =	vld [tilespmem:s1+$0xFFFFFFE0];
	v6 =	vsel vm0, $0x3F800000, v0;
	vm0 =	vgt.f32 v3, $0.0e+00  }
0xac: {  	v7 =	vadd.f32 v9, v8;
	v3 =	vld [tilespmem:s1+$0xFFFFFFF0];
	[tilespmem:s26+$0x0] =	vst v6;
	v6 =	vsel vm0, $0x3F800000, v0;
	vm0 =	vgt.f32 v5, $0.0e+00  }
0xad: {  	s0 =	simm.s32 $0x0;
	s31 =	simm.s32 $0x270;
	[tilespmem:s26+$0xFFFFFFA0] =	vst v6;
	v8 =	vsel vm0, $0x3F800000, v0;
	v6 =	vld [tilespmem:s29+$0xFFFFFFF0]  }
0xae: {  	s30 =	simm.s32 $0x8270;
	s28 =	simm.s32 $0x10270;
	v5 =	vld [tilespmem:s1+$0xFFFFFF90];
	s1 =	simm.s32 $0x5F0;
	vm0 =	vgt.f32 v7, $0.0e+00;
	v7 =	vadd.f32 v11, v10;
	[tilespmem:s26+$0xFFFFFFB0] =	vst v8  }
.LBB2_9:
0xaf: {  	v8 =	vld [tilespmem:s1+$0x0];
	v9 =	vsel vm0, $0x3F800000, v0;
	s29 =	sadd.s32 $0x400, s29  }
0xb0: {  	s0 =	sadd.s32 $0x80, s0;
	v10 =	vld [tilespmem:s29+$0x0];
	[tilespmem:s26+$0xFFFFFFC0] =	vst v9;
	vm0 =	vgt.f32 v7, $0.0e+00;
	v2 =	vadd.f32 v4, v2  }
0xb1: {  	p1 =	slt.u32 s0, $0x780;
	v4 =	vld [tilespmem:s29+$0xFFFFFF90];
	v7 =	vsel vm0, $0x3F800000, v0  }
0xb2: {  	v9 =	vld [tilespmem:s1+$0xFFFFFFA0];
	[tilespmem:s26+$0xFFFFFFD0] =	vst v7;
	vm0 =	vgt.f32 v2, $0.0e+00;
	v2 =	vadd.f32 v6, v3  }
0xb3: {  	v3 =	vld [tilespmem:s29+$0xFFFFFFA0];
	v11 =	vadd.f32 v1, v5;
	v5 =	vsel vm0, $0x3F800000, v0  }
0xb4: {  	v6 =	vld [tilespmem:s1+$0xFFFFFFB0];
	[tilespmem:s26+$0xFFFFFFE0] =	vst v5;
	vm0 =	vgt.f32 v2, $0.0e+00  }
0xb5: {  	v2 =	vld [tilespmem:s29+$0xFFFFFFB0];
	v5 =	vadd.f32 v10, v8;
	vm1 =	vgt.f32 v11, $0.0e+00;
	v10 =	vsel vm0, $0x3F800000, v0  }
0xb6: {  	v7 =	vld [tilespmem:s1+$0xFFFFFFC0];
	v8 =	vsel vm1, $0x3F800000, v0;
	[tilespmem:s26+$0xFFFFFFF0] =	vst v10;
	v1 =	vmov v4  }
0xb7: {  	v10 =	vld [tilespmem:s29+$0xFFFFFFC0];
	vm0 =	vgt.f32 v5, $0.0e+00;
	[tilespmem:s26+$0xFFFFFF90] =	vst v8  }
0xb8: {  	s26 =	sadd.s32 $0x400, s26;
	v3 =	vadd.f32 v3, v9;
	v8 =	vld [tilespmem:s1+$0xFFFFFFD0];
	v4 =	vsel vm0, $0x3F800000, v0  }
0xb9: {  	v9 =	vld [tilespmem:s29+$0xFFFFFFD0];
	[tilespmem:s26+$0x0] =	vst v4  }
.Ltmp5:
0xba: {  	vm0 =	vgt.f32 v3, $0.0e+00;
	v3 =	vadd.f32 v2, v6;
	v2 =	vld [tilespmem:s1+$0xFFFFFFE0];
	(pc) =	sbr.rel @p1 .LBB2_9-.Ltmp5, $4  }
0xbb: {  	v5 =	vsel vm0, $0x3F800000, v0;
	v4 =	vld [tilespmem:s29+$0xFFFFFFE0]  }
0xbc: {  	[tilespmem:s26+$0xFFFFFFA0] =	vst v5;
	vm0 =	vgt.f32 v3, $0.0e+00;
	v7 =	vadd.f32 v10, v7;
	v3 =	vld [tilespmem:s1+$0xFFFFFFF0]  }
0xbd: {  	v10 =	vsel vm0, $0x3F800000, v0;
	v6 =	vld [tilespmem:s29+$0xFFFFFFF0]  }
0xbe: {  	v5 =	vld [tilespmem:s1+$0xFFFFFF90];
	[tilespmem:s26+$0xFFFFFFB0] =	vst v10;
	vm0 =	vgt.f32 v7, $0.0e+00;
	v7 =	vadd.f32 v9, v8;
	s1 =	sadd.s32 $0x400, s1  }
0xbf: {  	_ =	sdelay $0x1  }
0xc0: {  	v2 =	vadd.f32 v4, v2  }
0xc1: {  	v4 =	vsel vm0, $0x3F800000, v0;
	vm0 =	vgt.f32 v7, $0.0e+00;
	v3 =	vadd.f32 v6, v3  }
0xc2: {  	[tilespmem:s26+$0xFFFFFFC0] =	vst v4;
	v4 =	vsel vm0, $0x3F800000, v0;
	vm0 =	vgt.f32 v2, $0.0e+00;
	v1 =	vadd.f32 v1, v5  }
0xc3: {  	[tilespmem:s26+$0xFFFFFFD0] =	vst v4;
	v2 =	vsel vm0, $0x3F800000, v0;
	vm0 =	vgt.f32 v3, $0.0e+00  }
0xc4: {  	[tilespmem:s26+$0xFFFFFFE0] =	vst v2;
	vm1 =	vgt.f32 v1, $0.0e+00;
	v1 =	vsel vm0, $0x3F800000, v0  }
0xc5: {  	v2 =	vsel vm1, $0x3F800000, v0;
	[tilespmem:s26+$0xFFFFFFF0] =	vst v1  }
0xc6: {  	[tilespmem:s26+$0xFFFFFF90] =	vst v2  }
0xc7: {  	v2 =	vld [tilespmem:s31+$0x0]  }
0xc8: {  	v3 =	vld [tilespmem:s30+$0x0]  }
0xc9: {  	v1 =	vld [tilespmem:s30+$0xFFFFFF90]  }
0xca: {  	v4 =	vld [tilespmem:s31+$0xFFFFFFA0]  }
0xcb: {  	v5 =	vld [tilespmem:s30+$0xFFFFFFA0]  }
0xcc: {  	v6 =	vld [tilespmem:s31+$0xFFFFFFB0]  }
0xcd: {  	v7 =	vld [tilespmem:s30+$0xFFFFFFB0]  }
0xce: {  	v8 =	vld [tilespmem:s31+$0xFFFFFFC0]  }
0xcf: {  	v9 =	vld [tilespmem:s30+$0xFFFFFFC0]  }
0xd0: {  	v10 =	vld [tilespmem:s31+$0xFFFFFFD0];
	v2 =	vadd.f32 v3, v2  }
0xd1: {  	v11 =	vld [tilespmem:s30+$0xFFFFFFD0];
	v3 =	vadd.f32 v5, v4  }
0xd2: {  	v5 =	vadd.f32 v7, v6;
	v4 =	vld [tilespmem:s30+$0xFFFFFFE0];
	vm0 =	vgt.f32 v2, $0.0e+00  }
0xd3: {  	v2 =	vld [tilespmem:s31+$0xFFFFFFE0];
	v6 =	vsel vm0, $0x3F800000, v0;
	vm0 =	vgt.f32 v3, $0.0e+00  }
0xd4: {  	v7 =	vadd.f32 v9, v8;
	v3 =	vld [tilespmem:s31+$0xFFFFFFF0];
	[tilespmem:s28+$0x0] =	vst v6;
	v6 =	vsel vm0, $0x3F800000, v0;
	vm0 =	vgt.f32 v5, $0.0e+00  }
0xd5: {  	s0 =	simm.s32 $0x0;
	s29 =	simm.s32 $0x82F0;
	[tilespmem:s28+$0xFFFFFFA0] =	vst v6;
	v8 =	vsel vm0, $0x3F800000, v0;
	v6 =	vld [tilespmem:s30+$0xFFFFFFF0]  }
0xd6: {  	s1 =	simm.s32 $0x2F0;
	s26 =	simm.s32 $0x102F0;
	v5 =	vld [tilespmem:s31+$0xFFFFFF90];
	s31 =	simm.s32 $0x670;
	vm0 =	vgt.f32 v7, $0.0e+00;
	v7 =	vadd.f32 v11, v10;
	[tilespmem:s28+$0xFFFFFFB0] =	vst v8  }
.LBB2_11:
0xd7: {  	v8 =	vld [tilespmem:s31+$0x0];
	v9 =	vsel vm0, $0x3F800000, v0;
	s30 =	sadd.s32 $0x400, s30  }
0xd8: {  	s0 =	sadd.s32 $0x80, s0;
	v10 =	vld [tilespmem:s30+$0x0];
	[tilespmem:s28+$0xFFFFFFC0] =	vst v9;
	vm0 =	vgt.f32 v7, $0.0e+00;
	v2 =	vadd.f32 v4, v2  }
0xd9: {  	p1 =	slt.u32 s0, $0x780;
	v4 =	vld [tilespmem:s30+$0xFFFFFF90];
	v7 =	vsel vm0, $0x3F800000, v0  }
0xda: {  	v9 =	vld [tilespmem:s31+$0xFFFFFFA0];
	[tilespmem:s28+$0xFFFFFFD0] =	vst v7;
	vm0 =	vgt.f32 v2, $0.0e+00;
	v2 =	vadd.f32 v6, v3  }
0xdb: {  	v3 =	vld [tilespmem:s30+$0xFFFFFFA0];
	v11 =	vadd.f32 v1, v5;
	v5 =	vsel vm0, $0x3F800000, v0  }
0xdc: {  	v6 =	vld [tilespmem:s31+$0xFFFFFFB0];
	[tilespmem:s28+$0xFFFFFFE0] =	vst v5;
	vm0 =	vgt.f32 v2, $0.0e+00  }
0xdd: {  	v2 =	vld [tilespmem:s30+$0xFFFFFFB0];
	v5 =	vadd.f32 v10, v8;
	vm1 =	vgt.f32 v11, $0.0e+00;
	v10 =	vsel vm0, $0x3F800000, v0  }
0xde: {  	v7 =	vld [tilespmem:s31+$0xFFFFFFC0];
	v8 =	vsel vm1, $0x3F800000, v0;
	[tilespmem:s28+$0xFFFFFFF0] =	vst v10;
	v1 =	vmov v4  }
0xdf: {  	v10 =	vld [tilespmem:s30+$0xFFFFFFC0];
	vm0 =	vgt.f32 v5, $0.0e+00;
	[tilespmem:s28+$0xFFFFFF90] =	vst v8  }
0xe0: {  	s28 =	sadd.s32 $0x400, s28;
	v3 =	vadd.f32 v3, v9;
	v8 =	vld [tilespmem:s31+$0xFFFFFFD0];
	v4 =	vsel vm0, $0x3F800000, v0  }
0xe1: {  	v9 =	vld [tilespmem:s30+$0xFFFFFFD0];
	[tilespmem:s28+$0x0] =	vst v4  }
.Ltmp6:
0xe2: {  	vm0 =	vgt.f32 v3, $0.0e+00;
	v3 =	vadd.f32 v2, v6;
	v2 =	vld [tilespmem:s31+$0xFFFFFFE0];
	(pc) =	sbr.rel @p1 .LBB2_11-.Ltmp6, $4  }
0xe3: {  	v5 =	vsel vm0, $0x3F800000, v0;
	v4 =	vld [tilespmem:s30+$0xFFFFFFE0]  }
0xe4: {  	[tilespmem:s28+$0xFFFFFFA0] =	vst v5;
	vm0 =	vgt.f32 v3, $0.0e+00;
	v7 =	vadd.f32 v10, v7;
	v3 =	vld [tilespmem:s31+$0xFFFFFFF0]  }
0xe5: {  	v10 =	vsel vm0, $0x3F800000, v0;
	v6 =	vld [tilespmem:s30+$0xFFFFFFF0]  }
0xe6: {  	v5 =	vld [tilespmem:s31+$0xFFFFFF90];
	[tilespmem:s28+$0xFFFFFFB0] =	vst v10;
	vm0 =	vgt.f32 v7, $0.0e+00;
	v7 =	vadd.f32 v9, v8;
	s31 =	sadd.s32 $0x400, s31  }
0xe7: {  	_ =	sdelay $0x1  }
0xe8: {  	v2 =	vadd.f32 v4, v2  }
0xe9: {  	v4 =	vsel vm0, $0x3F800000, v0;
	vm0 =	vgt.f32 v7, $0.0e+00;
	v3 =	vadd.f32 v6, v3  }
0xea: {  	[tilespmem:s28+$0xFFFFFFC0] =	vst v4;
	v4 =	vsel vm0, $0x3F800000, v0;
	vm0 =	vgt.f32 v2, $0.0e+00;
	v1 =	vadd.f32 v1, v5  }
0xeb: {  	[tilespmem:s28+$0xFFFFFFD0] =	vst v4;
	v2 =	vsel vm0, $0x3F800000, v0;
	vm0 =	vgt.f32 v3, $0.0e+00  }
0xec: {  	[tilespmem:s28+$0xFFFFFFE0] =	vst v2;
	vm1 =	vgt.f32 v1, $0.0e+00;
	v1 =	vsel vm0, $0x3F800000, v0  }
0xed: {  	v2 =	vsel vm1, $0x3F800000, v0;
	[tilespmem:s28+$0xFFFFFFF0] =	vst v1  }
0xee: {  	[tilespmem:s28+$0xFFFFFF90] =	vst v2  }
0xef: {  	v2 =	vld [tilespmem:s1+$0x0]  }
0xf0: {  	v3 =	vld [tilespmem:s29+$0x0]  }
0xf1: {  	v1 =	vld [tilespmem:s29+$0xFFFFFF90]  }
0xf2: {  	v4 =	vld [tilespmem:s1+$0xFFFFFFA0]  }
0xf3: {  	v5 =	vld [tilespmem:s29+$0xFFFFFFA0]  }
0xf4: {  	v6 =	vld [tilespmem:s1+$0xFFFFFFB0]  }
0xf5: {  	v7 =	vld [tilespmem:s29+$0xFFFFFFB0]  }
0xf6: {  	v8 =	vld [tilespmem:s1+$0xFFFFFFC0]  }
0xf7: {  	v9 =	vld [tilespmem:s29+$0xFFFFFFC0]  }
0xf8: {  	v10 =	vld [tilespmem:s1+$0xFFFFFFD0];
	v2 =	vadd.f32 v3, v2  }
0xf9: {  	v11 =	vld [tilespmem:s29+$0xFFFFFFD0];
	v3 =	vadd.f32 v5, v4  }
0xfa: {  	v5 =	vadd.f32 v7, v6;
	v4 =	vld [tilespmem:s29+$0xFFFFFFE0];
	vm0 =	vgt.f32 v2, $0.0e+00  }
0xfb: {  	v2 =	vld [tilespmem:s1+$0xFFFFFFE0];
	v6 =	vsel vm0, $0x3F800000, v0;
	vm0 =	vgt.f32 v3, $0.0e+00  }
0xfc: {  	v7 =	vadd.f32 v9, v8;
	v3 =	vld [tilespmem:s1+$0xFFFFFFF0];
	[tilespmem:s26+$0x0] =	vst v6;
	v6 =	vsel vm0, $0x3F800000, v0;
	vm0 =	vgt.f32 v5, $0.0e+00  }
0xfd: {  	s0 =	simm.s32 $0x0;
	s31 =	simm.s32 $0x370;
	[tilespmem:s26+$0xFFFFFFA0] =	vst v6;
	v8 =	vsel vm0, $0x3F800000, v0;
	v6 =	vld [tilespmem:s29+$0xFFFFFFF0]  }
0xfe: {  	s30 =	simm.s32 $0x8370;
	s28 =	simm.s32 $0x10370;
	v5 =	vld [tilespmem:s1+$0xFFFFFF90];
	s1 =	simm.s32 $0x6F0;
	vm0 =	vgt.f32 v7, $0.0e+00;
	v7 =	vadd.f32 v11, v10;
	[tilespmem:s26+$0xFFFFFFB0] =	vst v8  }
.LBB2_13:
0xff: {  	v8 =	vld [tilespmem:s1+$0x0];
	v9 =	vsel vm0, $0x3F800000, v0;
	s29 =	sadd.s32 $0x400, s29  }
0x100: {  	s0 =	sadd.s32 $0x80, s0;
	v10 =	vld [tilespmem:s29+$0x0];
	[tilespmem:s26+$0xFFFFFFC0] =	vst v9;
	vm0 =	vgt.f32 v7, $0.0e+00;
	v2 =	vadd.f32 v4, v2  }
0x101: {  	p1 =	slt.u32 s0, $0x780;
	v4 =	vld [tilespmem:s29+$0xFFFFFF90];
	v7 =	vsel vm0, $0x3F800000, v0  }
0x102: {  	v9 =	vld [tilespmem:s1+$0xFFFFFFA0];
	[tilespmem:s26+$0xFFFFFFD0] =	vst v7;
	vm0 =	vgt.f32 v2, $0.0e+00;
	v2 =	vadd.f32 v6, v3  }
0x103: {  	v3 =	vld [tilespmem:s29+$0xFFFFFFA0];
	v11 =	vadd.f32 v1, v5;
	v5 =	vsel vm0, $0x3F800000, v0  }
0x104: {  	v6 =	vld [tilespmem:s1+$0xFFFFFFB0];
	[tilespmem:s26+$0xFFFFFFE0] =	vst v5;
	vm0 =	vgt.f32 v2, $0.0e+00  }
0x105: {  	v2 =	vld [tilespmem:s29+$0xFFFFFFB0];
	v5 =	vadd.f32 v10, v8;
	vm1 =	vgt.f32 v11, $0.0e+00;
	v10 =	vsel vm0, $0x3F800000, v0  }
0x106: {  	v7 =	vld [tilespmem:s1+$0xFFFFFFC0];
	v8 =	vsel vm1, $0x3F800000, v0;
	[tilespmem:s26+$0xFFFFFFF0] =	vst v10;
	v1 =	vmov v4  }
0x107: {  	v10 =	vld [tilespmem:s29+$0xFFFFFFC0];
	vm0 =	vgt.f32 v5, $0.0e+00;
	[tilespmem:s26+$0xFFFFFF90] =	vst v8  }
0x108: {  	s26 =	sadd.s32 $0x400, s26;
	v3 =	vadd.f32 v3, v9;
	v8 =	vld [tilespmem:s1+$0xFFFFFFD0];
	v4 =	vsel vm0, $0x3F800000, v0  }
0x109: {  	v9 =	vld [tilespmem:s29+$0xFFFFFFD0];
	[tilespmem:s26+$0x0] =	vst v4  }
.Ltmp7:
0x10a: {  	vm0 =	vgt.f32 v3, $0.0e+00;
	v3 =	vadd.f32 v2, v6;
	v2 =	vld [tilespmem:s1+$0xFFFFFFE0];
	(pc) =	sbr.rel @p1 .LBB2_13-.Ltmp7, $4  }
0x10b: {  	v5 =	vsel vm0, $0x3F800000, v0;
	v4 =	vld [tilespmem:s29+$0xFFFFFFE0]  }
0x10c: {  	[tilespmem:s26+$0xFFFFFFA0] =	vst v5;
	vm0 =	vgt.f32 v3, $0.0e+00;
	v7 =	vadd.f32 v10, v7;
	v3 =	vld [tilespmem:s1+$0xFFFFFFF0]  }
0x10d: {  	v10 =	vsel vm0, $0x3F800000, v0;
	v6 =	vld [tilespmem:s29+$0xFFFFFFF0]  }
0x10e: {  	v5 =	vld [tilespmem:s1+$0xFFFFFF90];
	[tilespmem:s26+$0xFFFFFFB0] =	vst v10;
	vm0 =	vgt.f32 v7, $0.0e+00;
	v7 =	vadd.f32 v9, v8;
	s1 =	sadd.s32 $0x400, s1  }
0x10f: {  	_ =	sdelay $0x1  }
0x110: {  	v2 =	vadd.f32 v4, v2  }
0x111: {  	v4 =	vsel vm0, $0x3F800000, v0;
	vm0 =	vgt.f32 v7, $0.0e+00;
	v3 =	vadd.f32 v6, v3  }
0x112: {  	[tilespmem:s26+$0xFFFFFFC0] =	vst v4;
	v4 =	vsel vm0, $0x3F800000, v0;
	vm0 =	vgt.f32 v2, $0.0e+00;
	v1 =	vadd.f32 v1, v5  }
0x113: {  	[tilespmem:s26+$0xFFFFFFD0] =	vst v4;
	v2 =	vsel vm0, $0x3F800000, v0;
	vm0 =	vgt.f32 v3, $0.0e+00  }
0x114: {  	[tilespmem:s26+$0xFFFFFFE0] =	vst v2;
	vm1 =	vgt.f32 v1, $0.0e+00;
	v1 =	vsel vm0, $0x3F800000, v0  }
0x115: {  	v2 =	vsel vm1, $0x3F800000, v0;
	[tilespmem:s26+$0xFFFFFFF0] =	vst v1  }
0x116: {  	[tilespmem:s26+$0xFFFFFF90] =	vst v2  }
0x117: {  	v2 =	vld [tilespmem:s31+$0x0]  }
0x118: {  	v3 =	vld [tilespmem:s30+$0x0]  }
0x119: {  	v1 =	vld [tilespmem:s30+$0xFFFFFF90]  }
0x11a: {  	v4 =	vld [tilespmem:s31+$0xFFFFFFA0]  }
0x11b: {  	v5 =	vld [tilespmem:s30+$0xFFFFFFA0]  }
0x11c: {  	v6 =	vld [tilespmem:s31+$0xFFFFFFB0]  }
0x11d: {  	v7 =	vld [tilespmem:s30+$0xFFFFFFB0]  }
0x11e: {  	v8 =	vld [tilespmem:s31+$0xFFFFFFC0]  }
0x11f: {  	v9 =	vld [tilespmem:s30+$0xFFFFFFC0]  }
0x120: {  	v10 =	vld [tilespmem:s31+$0xFFFFFFD0];
	v2 =	vadd.f32 v3, v2  }
0x121: {  	v11 =	vld [tilespmem:s30+$0xFFFFFFD0];
	v3 =	vadd.f32 v5, v4  }
0x122: {  	v5 =	vadd.f32 v7, v6;
	v4 =	vld [tilespmem:s30+$0xFFFFFFE0];
	vm0 =	vgt.f32 v2, $0.0e+00  }
0x123: {  	v2 =	vld [tilespmem:s31+$0xFFFFFFE0];
	v6 =	vsel vm0, $0x3F800000, v0;
	vm0 =	vgt.f32 v3, $0.0e+00  }
0x124: {  	v7 =	vadd.f32 v9, v8;
	v3 =	vld [tilespmem:s31+$0xFFFFFFF0];
	[tilespmem:s28+$0x0] =	vst v6;
	v6 =	vsel vm0, $0x3F800000, v0;
	vm0 =	vgt.f32 v5, $0.0e+00  }
0x125: {  	s0 =	simm.s32 $0x0;
	s29 =	simm.s32 $0x83F0;
	[tilespmem:s28+$0xFFFFFFA0] =	vst v6;
	v8 =	vsel vm0, $0x3F800000, v0;
	v6 =	vld [tilespmem:s30+$0xFFFFFFF0]  }
0x126: {  	s1 =	simm.s32 $0x3F0;
	s26 =	simm.s32 $0x103F0;
	v5 =	vld [tilespmem:s31+$0xFFFFFF90];
	s31 =	simm.s32 $0x770;
	vm0 =	vgt.f32 v7, $0.0e+00;
	v7 =	vadd.f32 v11, v10;
	[tilespmem:s28+$0xFFFFFFB0] =	vst v8  }
.LBB2_15:
0x127: {  	v8 =	vld [tilespmem:s31+$0x0];
	v9 =	vsel vm0, $0x3F800000, v0;
	s30 =	sadd.s32 $0x400, s30  }
0x128: {  	s0 =	sadd.s32 $0x80, s0;
	v10 =	vld [tilespmem:s30+$0x0];
	[tilespmem:s28+$0xFFFFFFC0] =	vst v9;
	vm0 =	vgt.f32 v7, $0.0e+00;
	v2 =	vadd.f32 v4, v2  }
0x129: {  	p1 =	slt.u32 s0, $0x780;
	v4 =	vld [tilespmem:s30+$0xFFFFFF90];
	v7 =	vsel vm0, $0x3F800000, v0  }
0x12a: {  	v9 =	vld [tilespmem:s31+$0xFFFFFFA0];
	[tilespmem:s28+$0xFFFFFFD0] =	vst v7;
	vm0 =	vgt.f32 v2, $0.0e+00;
	v2 =	vadd.f32 v6, v3  }
0x12b: {  	v3 =	vld [tilespmem:s30+$0xFFFFFFA0];
	v11 =	vadd.f32 v1, v5;
	v5 =	vsel vm0, $0x3F800000, v0  }
0x12c: {  	v6 =	vld [tilespmem:s31+$0xFFFFFFB0];
	[tilespmem:s28+$0xFFFFFFE0] =	vst v5;
	vm0 =	vgt.f32 v2, $0.0e+00  }
0x12d: {  	v2 =	vld [tilespmem:s30+$0xFFFFFFB0];
	v5 =	vadd.f32 v10, v8;
	vm1 =	vgt.f32 v11, $0.0e+00;
	v10 =	vsel vm0, $0x3F800000, v0  }
0x12e: {  	v7 =	vld [tilespmem:s31+$0xFFFFFFC0];
	v8 =	vsel vm1, $0x3F800000, v0;
	[tilespmem:s28+$0xFFFFFFF0] =	vst v10;
	v1 =	vmov v4  }
0x12f: {  	v10 =	vld [tilespmem:s30+$0xFFFFFFC0];
	vm0 =	vgt.f32 v5, $0.0e+00;
	[tilespmem:s28+$0xFFFFFF90] =	vst v8  }
0x130: {  	s28 =	sadd.s32 $0x400, s28;
	v3 =	vadd.f32 v3, v9;
	v8 =	vld [tilespmem:s31+$0xFFFFFFD0];
	v4 =	vsel vm0, $0x3F800000, v0  }
0x131: {  	v9 =	vld [tilespmem:s30+$0xFFFFFFD0];
	[tilespmem:s28+$0x0] =	vst v4  }
.Ltmp8:
0x132: {  	vm0 =	vgt.f32 v3, $0.0e+00;
	v3 =	vadd.f32 v2, v6;
	v2 =	vld [tilespmem:s31+$0xFFFFFFE0];
	(pc) =	sbr.rel @p1 .LBB2_15-.Ltmp8, $4  }
0x133: {  	v5 =	vsel vm0, $0x3F800000, v0;
	v4 =	vld [tilespmem:s30+$0xFFFFFFE0]  }
0x134: {  	[tilespmem:s28+$0xFFFFFFA0] =	vst v5;
	vm0 =	vgt.f32 v3, $0.0e+00;
	v7 =	vadd.f32 v10, v7;
	v3 =	vld [tilespmem:s31+$0xFFFFFFF0]  }
0x135: {  	v10 =	vsel vm0, $0x3F800000, v0;
	v6 =	vld [tilespmem:s30+$0xFFFFFFF0]  }
0x136: {  	v5 =	vld [tilespmem:s31+$0xFFFFFF90];
	[tilespmem:s28+$0xFFFFFFB0] =	vst v10;
	vm0 =	vgt.f32 v7, $0.0e+00;
	v7 =	vadd.f32 v9, v8;
	s31 =	sadd.s32 $0x400, s31  }
0x137: {  	_ =	sdelay $0x1  }
0x138: {  	v2 =	vadd.f32 v4, v2  }
0x139: {  	v4 =	vsel vm0, $0x3F800000, v0;
	vm0 =	vgt.f32 v7, $0.0e+00;
	v3 =	vadd.f32 v6, v3  }
0x13a: {  	[tilespmem:s28+$0xFFFFFFC0] =	vst v4;
	v4 =	vsel vm0, $0x3F800000, v0;
	vm0 =	vgt.f32 v2, $0.0e+00;
	v1 =	vadd.f32 v1, v5  }
0x13b: {  	[tilespmem:s28+$0xFFFFFFD0] =	vst v4;
	v2 =	vsel vm0, $0x3F800000, v0;
	vm0 =	vgt.f32 v3, $0.0e+00  }
0x13c: {  	[tilespmem:s28+$0xFFFFFFE0] =	vst v2;
	vm1 =	vgt.f32 v1, $0.0e+00;
	v1 =	vsel vm0, $0x3F800000, v0  }
0x13d: {  	v2 =	vsel vm1, $0x3F800000, v0;
	[tilespmem:s28+$0xFFFFFFF0] =	vst v1  }
0x13e: {  	[tilespmem:s28+$0xFFFFFF90] =	vst v2  }
0x13f: {  	v2 =	vld [tilespmem:s1+$0x0]  }
0x140: {  	v3 =	vld [tilespmem:s29+$0x0]  }
0x141: {  	v1 =	vld [tilespmem:s29+$0xFFFFFF90]  }
0x142: {  	v4 =	vld [tilespmem:s1+$0xFFFFFFA0]  }
0x143: {  	v5 =	vld [tilespmem:s29+$0xFFFFFFA0]  }
0x144: {  	v6 =	vld [tilespmem:s1+$0xFFFFFFB0]  }
0x145: {  	v7 =	vld [tilespmem:s29+$0xFFFFFFB0]  }
0x146: {  	v8 =	vld [tilespmem:s1+$0xFFFFFFC0]  }
0x147: {  	v9 =	vld [tilespmem:s29+$0xFFFFFFC0]  }
0x148: {  	v10 =	vld [tilespmem:s1+$0xFFFFFFD0];
	v2 =	vadd.f32 v3, v2  }
0x149: {  	v11 =	vld [tilespmem:s29+$0xFFFFFFD0];
	v3 =	vadd.f32 v5, v4  }
0x14a: {  	v5 =	vadd.f32 v7, v6;
	v4 =	vld [tilespmem:s29+$0xFFFFFFE0];
	vm0 =	vgt.f32 v2, $0.0e+00  }
0x14b: {  	v2 =	vld [tilespmem:s1+$0xFFFFFFE0];
	v6 =	vsel vm0, $0x3F800000, v0;
	vm0 =	vgt.f32 v3, $0.0e+00  }
0x14c: {  	v7 =	vadd.f32 v9, v8;
	v3 =	vld [tilespmem:s1+$0xFFFFFFF0];
	[tilespmem:s26+$0x0] =	vst v6;
	v6 =	vsel vm0, $0x3F800000, v0;
	vm0 =	vgt.f32 v5, $0.0e+00  }
0x14d: {  	[tilespmem:s26+$0xFFFFFFA0] =	vst v6;
	v8 =	vsel vm0, $0x3F800000, v0;
	v6 =	vld [tilespmem:s29+$0xFFFFFFF0]  }
0x14e: {  	s0 =	simm.s32 $0x0;
	v5 =	vld [tilespmem:s1+$0xFFFFFF90];
	s1 =	simm.s32 $0x7F0;
	vm0 =	vgt.f32 v7, $0.0e+00;
	v7 =	vadd.f32 v11, v10;
	[tilespmem:s26+$0xFFFFFFB0] =	vst v8  }
.LBB2_17:
0x14f: {  	v8 =	vld [tilespmem:s1+$0x0];
	v9 =	vsel vm0, $0x3F800000, v0;
	s29 =	sadd.s32 $0x400, s29  }
0x150: {  	s0 =	sadd.s32 $0x80, s0;
	v10 =	vld [tilespmem:s29+$0x0];
	[tilespmem:s26+$0xFFFFFFC0] =	vst v9;
	vm0 =	vgt.f32 v7, $0.0e+00;
	v2 =	vadd.f32 v4, v2  }
0x151: {  	p1 =	slt.u32 s0, $0x780;
	v4 =	vld [tilespmem:s29+$0xFFFFFF90];
	v7 =	vsel vm0, $0x3F800000, v0  }
0x152: {  	v9 =	vld [tilespmem:s1+$0xFFFFFFA0];
	[tilespmem:s26+$0xFFFFFFD0] =	vst v7;
	vm0 =	vgt.f32 v2, $0.0e+00;
	v2 =	vadd.f32 v6, v3  }
0x153: {  	v3 =	vld [tilespmem:s29+$0xFFFFFFA0];
	v11 =	vadd.f32 v1, v5;
	v5 =	vsel vm0, $0x3F800000, v0  }
0x154: {  	v6 =	vld [tilespmem:s1+$0xFFFFFFB0];
	[tilespmem:s26+$0xFFFFFFE0] =	vst v5;
	vm0 =	vgt.f32 v2, $0.0e+00  }
0x155: {  	v2 =	vld [tilespmem:s29+$0xFFFFFFB0];
	v5 =	vadd.f32 v10, v8;
	vm1 =	vgt.f32 v11, $0.0e+00;
	v10 =	vsel vm0, $0x3F800000, v0  }
0x156: {  	v7 =	vld [tilespmem:s1+$0xFFFFFFC0];
	v8 =	vsel vm1, $0x3F800000, v0;
	[tilespmem:s26+$0xFFFFFFF0] =	vst v10;
	v1 =	vmov v4  }
0x157: {  	v10 =	vld [tilespmem:s29+$0xFFFFFFC0];
	vm0 =	vgt.f32 v5, $0.0e+00;
	[tilespmem:s26+$0xFFFFFF90] =	vst v8  }
0x158: {  	s26 =	sadd.s32 $0x400, s26;
	v3 =	vadd.f32 v3, v9;
	v8 =	vld [tilespmem:s1+$0xFFFFFFD0];
	v4 =	vsel vm0, $0x3F800000, v0  }
0x159: {  	v9 =	vld [tilespmem:s29+$0xFFFFFFD0];
	[tilespmem:s26+$0x0] =	vst v4  }
.Ltmp9:
0x15a: {  	vm0 =	vgt.f32 v3, $0.0e+00;
	v3 =	vadd.f32 v2, v6;
	v2 =	vld [tilespmem:s1+$0xFFFFFFE0];
	(pc) =	sbr.rel @p1 .LBB2_17-.Ltmp9, $4  }
0x15b: {  	v5 =	vsel vm0, $0x3F800000, v0;
	v4 =	vld [tilespmem:s29+$0xFFFFFFE0]  }
0x15c: {  	[tilespmem:s26+$0xFFFFFFA0] =	vst v5;
	vm0 =	vgt.f32 v3, $0.0e+00;
	v7 =	vadd.f32 v10, v7;
	v3 =	vld [tilespmem:s1+$0xFFFFFFF0]  }
0x15d: {  	v10 =	vsel vm0, $0x3F800000, v0;
	v6 =	vld [tilespmem:s29+$0xFFFFFFF0]  }
0x15e: {  	v5 =	vld [tilespmem:s1+$0xFFFFFF90];
	[tilespmem:s26+$0xFFFFFFB0] =	vst v10;
	vm0 =	vgt.f32 v7, $0.0e+00;
	v7 =	vadd.f32 v9, v8;
	s1 =	sadd.s32 $0x400, s1  }
0x15f: {  	_ =	sdelay $0x1  }
0x160: {  	v2 =	vadd.f32 v4, v2  }
0x161: {  	v4 =	vsel vm0, $0x3F800000, v0;
	vm0 =	vgt.f32 v7, $0.0e+00;
	v3 =	vadd.f32 v6, v3  }
0x162: {  	[tilespmem:s26+$0xFFFFFFC0] =	vst v4;
	v4 =	vsel vm0, $0x3F800000, v0;
	vm0 =	vgt.f32 v2, $0.0e+00;
	v1 =	vadd.f32 v1, v5  }
0x163: {  	s0 =	sshll.u32 s24, $0xF;
	[tilespmem:s26+$0xFFFFFFD0] =	vst v4;
	v2 =	vsel vm0, $0x3F800000, v0;
	vm0 =	vgt.f32 v3, $0.0e+00  }
0x164: {  	s0 =	sadd.s32 s4, s0;
	[tilespmem:s26+$0xFFFFFFE0] =	vst v2;
	vm1 =	vgt.f32 v1, $0.0e+00;
	v1 =	vsel vm0, $0x3F800000, v0  }
0x165: {  	s0 =	sshrl.u32 s0, $0x3;
	v2 =	vsel vm1, $0x3F800000, v0;
	[tilespmem:s26+$0xFFFFFFF0] =	vst v1  }
0x166: {  	p1 =	seq.s32 s24, $0x2;
	s0 =	sadd.s32 s5, s0;
	[tilespmem:s26+$0xFFFFFF90] =	vst v2  }
0x167: {  	[hbm4b:s0+s3] =	stream.linear.scatter [tilespmem:s18], [sflag:$0x3], $0x4000, $0x38;
	[tilespmem:$0x18000] =	vst v63  }
0x168: {  	s0 =	sadd.s32 @!p1 s25, s10  }
0x169: {  	s0 =	sshll.u32 @!p1 s0, $0xB  }
0x16a: {  	s26 =	simm.s32 @!p1 $0x0;
	s1 =	sadd.s32 @!p1 s2, s0;
	s0 =	sand.u32 @!p1 $0x1FFFF800, s0  }
0x16b: {  	[tilespmem:s26], [sflag:$0x1] =	stream.linear.gather @!p1 [hbm4b:s1+s26], $0x4000, $0x38;
	[tilespmem:$0x18000] =	vst v63  }
0x16c: {  	s0 =	sadd.s32 @!p1 s2, s0  }
0x16d: {  	s1 =	simm.s32 @!p1 $0x8000;
	s0 =	sadd.s32 @!p1 $0x100000, s0  }
0x16e: {  	[tilespmem:s1], [sflag:$0x1] =	stream.linear.gather @!p1 [hbm4b:s0+s26], $0x4000, $0x38;
	[tilespmem:$0x18000] =	vst v63  }
0x16f: {  	_ =	swait.ge [sflag:s19], $0x4000  }
0x170: {  	[sflag:s19] =	ssyncset.done $0x0  }
0x171: {  	[sflag:s19] =	ssyncadd.s32 $0xFFFFC000  }
0x172: {  	_ =	swait.ge [sflag:s19], $0x4000  }
0x173: {  	[sflag:s19] =	ssyncset.done $0x0  }
0x174: {  	s0 =	simm.s32 @!p0 $0x4;
	[sflag:s19] =	ssyncadd.s32 $0xFFFFC000  }
0x175: {  	_ =	swait.ge @!p0 [sflag:s0], $0x4000  }
0x176: {  	[sflag:s0] =	ssyncset.done @!p0 $0x0  }
0x177: {  	s26 =	simm.s32 $0x0;
	[sflag:s0] =	ssyncadd.s32 @!p0 $0xFFFFC000  }
0x178: {  	v1 =	vld [tilespmem:s26+$0x4070]  }
0x179: {  	v2 =	vld [tilespmem:s26+$0xC070]  }
0x17a: {  	v3 =	vld [tilespmem:s26+$0x4000]  }
0x17b: {  	v4 =	vld [tilespmem:s26+$0xC000]  }
0x17c: {  	v5 =	vld [tilespmem:s26+$0x4010]  }
0x17d: {  	v6 =	vld [tilespmem:s26+$0xC010]  }
0x17e: {  	v7 =	vld [tilespmem:s26+$0x4020]  }
0x17f: {  	v8 =	vld [tilespmem:s26+$0xC020]  }
0x180: {  	v9 =	vld [tilespmem:s26+$0x4030];
	v1 =	vadd.f32 v2, v1  }
0x181: {  	v2 =	vadd.f32 v4, v3;
	v4 =	vld [tilespmem:s26+$0xC030]  }
0x182: {  	v5 =	vadd.f32 v6, v5;
	v3 =	vld [tilespmem:s26+$0xC040];
	vm0 =	vgt.f32 v1, $0.0e+00  }
0x183: {  	v1 =	vld [tilespmem:s26+$0x4040];
	v6 =	vsel vm0, $0x3F800000, v0;
	vm0 =	vgt.f32 v2, $0.0e+00  }
0x184: {  	v7 =	vadd.f32 v8, v7;
	v2 =	vld [tilespmem:s26+$0x4050];
	[tilespmem:s26+$0x14070] =	vst v6;
	v6 =	vsel vm0, $0x3F800000, v0;
	vm0 =	vgt.f32 v5, $0.0e+00  }
0x185: {  	v5 =	vld [tilespmem:s26+$0xC050];
	[tilespmem:s26+$0x14000] =	vst v6;
	v6 =	vsel vm0, $0x3F800000, v0  }
0x186: {  	s28 =	simm.s32 $0x1000;
	s1 =	simm.s32 $0x0;
	s0 =	simm.s32 $0x0;
	vm0 =	vgt.f32 v7, $0.0e+00;
	[tilespmem:s26+$0x14010] =	vst v6;
	v6 =	vadd.f32 v4, v9;
	v4 =	vld [tilespmem:s26+$0x4060]  }
.LBB2_19:
0x187: {  	s29 =	sshra.s32 s28, $0x2;
	v7 =	vsel vm0, $0x3F800000, v0;
	v8 =	vld [tilespmem:s1+$0xC060]  }
0x188: {  	s0 =	sadd.s32 $0x80, s0;
	v9 =	vld [tilespmem:s29+$0x4070];
	[tilespmem:s1+$0x14020] =	vst v7;
	vm0 =	vgt.f32 v6, $0.0e+00;
	v1 =	vadd.f32 v3, v1  }
0x189: {  	p0 =	slt.u32 s0, $0x780;
	v3 =	vld [tilespmem:s29+$0xC070];
	v6 =	vsel vm0, $0x3F800000, v0  }
0x18a: {  	v7 =	vld [tilespmem:s29+$0x4000];
	[tilespmem:s1+$0x14030] =	vst v6;
	vm0 =	vgt.f32 v1, $0.0e+00;
	v1 =	vadd.f32 v5, v2  }
0x18b: {  	v2 =	vld [tilespmem:s29+$0xC000];
	v5 =	vsel vm0, $0x3F800000, v0  }
0x18c: {  	v6 =	vld [tilespmem:s29+$0x4010];
	[tilespmem:s1+$0x14040] =	vst v5;
	vm0 =	vgt.f32 v1, $0.0e+00;
	v1 =	vadd.f32 v8, v4  }
0x18d: {  	v4 =	vld [tilespmem:s29+$0xC010];
	v5 =	vsel vm0, $0x3F800000, v0  }
0x18e: {  	v8 =	vld [tilespmem:s29+$0x4020];
	v3 =	vadd.f32 v3, v9;
	[tilespmem:s1+$0x14050] =	vst v5;
	vm0 =	vgt.f32 v1, $0.0e+00  }
0x18f: {  	v5 =	vld [tilespmem:s29+$0xC020];
	v1 =	vsel vm0, $0x3F800000, v0  }
0x190: {  	v2 =	vadd.f32 v2, v7;
	v7 =	vld [tilespmem:s29+$0x4030];
	vm0 =	vgt.f32 v3, $0.0e+00;
	[tilespmem:s1+$0x14060] =	vst v1;
	s1 =	smov.u32 s29  }
0x191: {  	v9 =	vld [tilespmem:s1+$0xC030];
	v3 =	vsel vm0, $0x3F800000, v0  }
.Ltmp10:
0x192: {  	vm0 =	vgt.f32 v2, $0.0e+00;
	v2 =	vadd.f32 v4, v6;
	v1 =	vld [tilespmem:s1+$0x4040];
	[tilespmem:s1+$0x14070] =	vst v3;
	(pc) =	sbr.rel @p0 .LBB2_19-.Ltmp10, $4  }
0x193: {  	v4 =	vsel vm0, $0x3F800000, v0;
	v3 =	vld [tilespmem:s1+$0xC040]  }
0x194: {  	[tilespmem:s1+$0x14000] =	vst v4;
	vm0 =	vgt.f32 v2, $0.0e+00;
	v4 =	vadd.f32 v5, v8;
	v2 =	vld [tilespmem:s1+$0x4050]  }
0x195: {  	v6 =	vsel vm0, $0x3F800000, v0;
	v5 =	vld [tilespmem:s1+$0xC050]  }
0x196: {  	s28 =	sadd.s32 $0x1000, s28;
	[tilespmem:s1+$0x14010] =	vst v6;
	vm0 =	vgt.f32 v4, $0.0e+00;
	v6 =	vadd.f32 v9, v7;
	v4 =	vld [tilespmem:s1+$0x4060]  }
0x197: {  	v7 =	vld [tilespmem:s1+$0xC060];
	_ =	sdelay $0x2  }
0x198: {  	v1 =	vadd.f32 v3, v1  }
0x199: {  	v3 =	vsel vm0, $0x3F800000, v0;
	vm0 =	vgt.f32 v6, $0.0e+00;
	v2 =	vadd.f32 v5, v2  }
0x19a: {  	[tilespmem:s1+$0x14020] =	vst v3;
	v3 =	vsel vm0, $0x3F800000, v0;
	vm0 =	vgt.f32 v1, $0.0e+00;
	v1 =	vadd.f32 v7, v4  }
0x19b: {  	[tilespmem:s1+$0x14030] =	vst v3;
	v3 =	vsel vm0, $0x3F800000, v0;
	vm0 =	vgt.f32 v2, $0.0e+00  }
0x19c: {  	[tilespmem:s1+$0x14040] =	vst v3;
	v2 =	vsel vm0, $0x3F800000, v0;
	vm0 =	vgt.f32 v1, $0.0e+00  }
0x19d: {  	[tilespmem:s1+$0x14050] =	vst v2;
	v1 =	vsel vm0, $0x3F800000, v0  }
0x19e: {  	[tilespmem:s1+$0x14060] =	vst v1  }
0x19f: {  	v1 =	vld [tilespmem:s26+$0x40F0]  }
0x1a0: {  	v2 =	vld [tilespmem:s26+$0xC0F0]  }
0x1a1: {  	v3 =	vld [tilespmem:s26+$0x4080]  }
0x1a2: {  	v4 =	vld [tilespmem:s26+$0xC080]  }
0x1a3: {  	v5 =	vld [tilespmem:s26+$0x4090]  }
0x1a4: {  	v6 =	vld [tilespmem:s26+$0xC090]  }
0x1a5: {  	v7 =	vld [tilespmem:s26+$0x40A0]  }
0x1a6: {  	v8 =	vld [tilespmem:s26+$0xC0A0]  }
0x1a7: {  	v9 =	vld [tilespmem:s26+$0x40B0];
	v1 =	vadd.f32 v2, v1  }
0x1a8: {  	v2 =	vadd.f32 v4, v3;
	v4 =	vld [tilespmem:s26+$0xC0B0]  }
0x1a9: {  	v5 =	vadd.f32 v6, v5;
	v3 =	vld [tilespmem:s26+$0xC0C0];
	vm0 =	vgt.f32 v1, $0.0e+00  }
0x1aa: {  	v1 =	vld [tilespmem:s26+$0x40C0];
	v6 =	vsel vm0, $0x3F800000, v0;
	vm0 =	vgt.f32 v2, $0.0e+00  }
0x1ab: {  	v7 =	vadd.f32 v8, v7;
	v2 =	vld [tilespmem:s26+$0x40D0];
	[tilespmem:s26+$0x140F0] =	vst v6;
	v6 =	vsel vm0, $0x3F800000, v0;
	vm0 =	vgt.f32 v5, $0.0e+00  }
0x1ac: {  	v5 =	vld [tilespmem:s26+$0xC0D0];
	[tilespmem:s26+$0x14080] =	vst v6;
	v6 =	vsel vm0, $0x3F800000, v0  }
0x1ad: {  	s0 =	simm.s32 $0x0;
	s1 =	simm.s32 $0x1000;
	vm0 =	vgt.f32 v7, $0.0e+00;
	[tilespmem:s26+$0x14090] =	vst v6;
	v6 =	vadd.f32 v4, v9;
	v4 =	vld [tilespmem:s26+$0x40E0]  }
.LBB2_21:
0x1ae: {  	s28 =	sshra.s32 s1, $0x2;
	v7 =	vsel vm0, $0x3F800000, v0;
	v8 =	vld [tilespmem:s26+$0xC0E0]  }
0x1af: {  	s0 =	sadd.s32 $0x80, s0;
	v9 =	vld [tilespmem:s28+$0x40F0];
	[tilespmem:s26+$0x140A0] =	vst v7;
	vm0 =	vgt.f32 v6, $0.0e+00;
	v1 =	vadd.f32 v3, v1  }
0x1b0: {  	p0 =	slt.u32 s0, $0x780;
	v3 =	vld [tilespmem:s28+$0xC0F0];
	v6 =	vsel vm0, $0x3F800000, v0  }
0x1b1: {  	v7 =	vld [tilespmem:s28+$0x4080];
	[tilespmem:s26+$0x140B0] =	vst v6;
	vm0 =	vgt.f32 v1, $0.0e+00;
	v1 =	vadd.f32 v5, v2  }
0x1b2: {  	v2 =	vld [tilespmem:s28+$0xC080];
	v5 =	vsel vm0, $0x3F800000, v0  }
0x1b3: {  	v6 =	vld [tilespmem:s28+$0x4090];
	[tilespmem:s26+$0x140C0] =	vst v5;
	vm0 =	vgt.f32 v1, $0.0e+00;
	v1 =	vadd.f32 v8, v4  }
0x1b4: {  	v4 =	vld [tilespmem:s28+$0xC090];
	v5 =	vsel vm0, $0x3F800000, v0  }
0x1b5: {  	v8 =	vld [tilespmem:s28+$0x40A0];
	v3 =	vadd.f32 v3, v9;
	[tilespmem:s26+$0x140D0] =	vst v5;
	vm0 =	vgt.f32 v1, $0.0e+00  }
0x1b6: {  	v5 =	vld [tilespmem:s28+$0xC0A0];
	v1 =	vsel vm0, $0x3F800000, v0  }
0x1b7: {  	v2 =	vadd.f32 v2, v7;
	v7 =	vld [tilespmem:s28+$0x40B0];
	vm0 =	vgt.f32 v3, $0.0e+00;
	[tilespmem:s26+$0x140E0] =	vst v1;
	s26 =	smov.u32 s28  }
0x1b8: {  	v9 =	vld [tilespmem:s26+$0xC0B0];
	v3 =	vsel vm0, $0x3F800000, v0  }
.Ltmp11:
0x1b9: {  	vm0 =	vgt.f32 v2, $0.0e+00;
	v2 =	vadd.f32 v4, v6;
	v1 =	vld [tilespmem:s26+$0x40C0];
	[tilespmem:s26+$0x140F0] =	vst v3;
	(pc) =	sbr.rel @p0 .LBB2_21-.Ltmp11, $4  }
0x1ba: {  	v4 =	vsel vm0, $0x3F800000, v0;
	v3 =	vld [tilespmem:s26+$0xC0C0]  }
0x1bb: {  	[tilespmem:s26+$0x14080] =	vst v4;
	vm0 =	vgt.f32 v2, $0.0e+00;
	v4 =	vadd.f32 v5, v8;
	v2 =	vld [tilespmem:s26+$0x40D0]  }
0x1bc: {  	v6 =	vsel vm0, $0x3F800000, v0;
	v5 =	vld [tilespmem:s26+$0xC0D0]  }
0x1bd: {  	s1 =	sadd.s32 $0x1000, s1;
	[tilespmem:s26+$0x14090] =	vst v6;
	vm0 =	vgt.f32 v4, $0.0e+00;
	v6 =	vadd.f32 v9, v7;
	v4 =	vld [tilespmem:s26+$0x40E0]  }
0x1be: {  	v7 =	vld [tilespmem:s26+$0xC0E0];
	_ =	sdelay $0x2  }
0x1bf: {  	v1 =	vadd.f32 v3, v1  }
0x1c0: {  	v3 =	vsel vm0, $0x3F800000, v0;
	vm0 =	vgt.f32 v6, $0.0e+00;
	v2 =	vadd.f32 v5, v2  }
0x1c1: {  	[tilespmem:s26+$0x140A0] =	vst v3;
	v3 =	vsel vm0, $0x3F800000, v0;
	vm0 =	vgt.f32 v1, $0.0e+00;
	v1 =	vadd.f32 v7, v4  }
0x1c2: {  	[tilespmem:s26+$0x140B0] =	vst v3;
	v3 =	vsel vm0, $0x3F800000, v0;
	vm0 =	vgt.f32 v2, $0.0e+00  }
0x1c3: {  	[tilespmem:s26+$0x140C0] =	vst v3;
	v2 =	vsel vm0, $0x3F800000, v0;
	vm0 =	vgt.f32 v1, $0.0e+00  }
0x1c4: {  	[tilespmem:s26+$0x140D0] =	vst v2;
	v1 =	vsel vm0, $0x3F800000, v0  }
0x1c5: {  	[tilespmem:s26+$0x140E0] =	vst v1;
	s26 =	simm.s32 $0x0  }
0x1c6: {  	v1 =	vld [tilespmem:s26+$0x4170]  }
0x1c7: {  	v2 =	vld [tilespmem:s26+$0xC170]  }
0x1c8: {  	v3 =	vld [tilespmem:s26+$0x4100]  }
0x1c9: {  	v4 =	vld [tilespmem:s26+$0xC100]  }
0x1ca: {  	v5 =	vld [tilespmem:s26+$0x4110]  }
0x1cb: {  	v6 =	vld [tilespmem:s26+$0xC110]  }
0x1cc: {  	v7 =	vld [tilespmem:s26+$0x4120]  }
0x1cd: {  	v8 =	vld [tilespmem:s26+$0xC120]  }
0x1ce: {  	v9 =	vld [tilespmem:s26+$0x4130];
	v1 =	vadd.f32 v2, v1  }
0x1cf: {  	v2 =	vadd.f32 v4, v3;
	v4 =	vld [tilespmem:s26+$0xC130]  }
0x1d0: {  	v5 =	vadd.f32 v6, v5;
	v3 =	vld [tilespmem:s26+$0xC140];
	vm0 =	vgt.f32 v1, $0.0e+00  }
0x1d1: {  	v1 =	vld [tilespmem:s26+$0x4140];
	v6 =	vsel vm0, $0x3F800000, v0;
	vm0 =	vgt.f32 v2, $0.0e+00  }
0x1d2: {  	v7 =	vadd.f32 v8, v7;
	v2 =	vld [tilespmem:s26+$0x4150];
	[tilespmem:s26+$0x14170] =	vst v6;
	v6 =	vsel vm0, $0x3F800000, v0;
	vm0 =	vgt.f32 v5, $0.0e+00  }
0x1d3: {  	v5 =	vld [tilespmem:s26+$0xC150];
	[tilespmem:s26+$0x14100] =	vst v6;
	v6 =	vsel vm0, $0x3F800000, v0  }
0x1d4: {  	s0 =	simm.s32 $0x0;
	s28 =	simm.s32 $0x1000;
	s1 =	simm.s32 $0x0;
	vm0 =	vgt.f32 v7, $0.0e+00;
	[tilespmem:s26+$0x14110] =	vst v6;
	v6 =	vadd.f32 v4, v9;
	v4 =	vld [tilespmem:s26+$0x4160]  }
.LBB2_23:
0x1d5: {  	s29 =	sshra.s32 s28, $0x2;
	v7 =	vsel vm0, $0x3F800000, v0;
	v8 =	vld [tilespmem:s1+$0xC160]  }
0x1d6: {  	s0 =	sadd.s32 $0x80, s0;
	v9 =	vld [tilespmem:s29+$0x4170];
	[tilespmem:s1+$0x14120] =	vst v7;
	vm0 =	vgt.f32 v6, $0.0e+00;
	v1 =	vadd.f32 v3, v1  }
0x1d7: {  	p0 =	slt.u32 s0, $0x780;
	v3 =	vld [tilespmem:s29+$0xC170];
	v6 =	vsel vm0, $0x3F800000, v0  }
0x1d8: {  	v7 =	vld [tilespmem:s29+$0x4100];
	[tilespmem:s1+$0x14130] =	vst v6;
	vm0 =	vgt.f32 v1, $0.0e+00;
	v1 =	vadd.f32 v5, v2  }
0x1d9: {  	v2 =	vld [tilespmem:s29+$0xC100];
	v5 =	vsel vm0, $0x3F800000, v0  }
0x1da: {  	v6 =	vld [tilespmem:s29+$0x4110];
	[tilespmem:s1+$0x14140] =	vst v5;
	vm0 =	vgt.f32 v1, $0.0e+00;
	v1 =	vadd.f32 v8, v4  }
0x1db: {  	v4 =	vld [tilespmem:s29+$0xC110];
	v5 =	vsel vm0, $0x3F800000, v0  }
0x1dc: {  	v8 =	vld [tilespmem:s29+$0x4120];
	v3 =	vadd.f32 v3, v9;
	[tilespmem:s1+$0x14150] =	vst v5;
	vm0 =	vgt.f32 v1, $0.0e+00  }
0x1dd: {  	v5 =	vld [tilespmem:s29+$0xC120];
	v1 =	vsel vm0, $0x3F800000, v0  }
0x1de: {  	v2 =	vadd.f32 v2, v7;
	v7 =	vld [tilespmem:s29+$0x4130];
	vm0 =	vgt.f32 v3, $0.0e+00;
	[tilespmem:s1+$0x14160] =	vst v1;
	s1 =	smov.u32 s29  }
0x1df: {  	v9 =	vld [tilespmem:s1+$0xC130];
	v3 =	vsel vm0, $0x3F800000, v0  }
.Ltmp12:
0x1e0: {  	vm0 =	vgt.f32 v2, $0.0e+00;
	v2 =	vadd.f32 v4, v6;
	v1 =	vld [tilespmem:s1+$0x4140];
	[tilespmem:s1+$0x14170] =	vst v3;
	(pc) =	sbr.rel @p0 .LBB2_23-.Ltmp12, $4  }
0x1e1: {  	v4 =	vsel vm0, $0x3F800000, v0;
	v3 =	vld [tilespmem:s1+$0xC140]  }
0x1e2: {  	[tilespmem:s1+$0x14100] =	vst v4;
	vm0 =	vgt.f32 v2, $0.0e+00;
	v4 =	vadd.f32 v5, v8;
	v2 =	vld [tilespmem:s1+$0x4150]  }
0x1e3: {  	v6 =	vsel vm0, $0x3F800000, v0;
	v5 =	vld [tilespmem:s1+$0xC150]  }
0x1e4: {  	s28 =	sadd.s32 $0x1000, s28;
	[tilespmem:s1+$0x14110] =	vst v6;
	vm0 =	vgt.f32 v4, $0.0e+00;
	v6 =	vadd.f32 v9, v7;
	v4 =	vld [tilespmem:s1+$0x4160]  }
0x1e5: {  	v7 =	vld [tilespmem:s1+$0xC160];
	_ =	sdelay $0x2  }
0x1e6: {  	v1 =	vadd.f32 v3, v1  }
0x1e7: {  	v3 =	vsel vm0, $0x3F800000, v0;
	vm0 =	vgt.f32 v6, $0.0e+00;
	v2 =	vadd.f32 v5, v2  }
0x1e8: {  	[tilespmem:s1+$0x14120] =	vst v3;
	v3 =	vsel vm0, $0x3F800000, v0;
	vm0 =	vgt.f32 v1, $0.0e+00;
	v1 =	vadd.f32 v7, v4  }
0x1e9: {  	[tilespmem:s1+$0x14130] =	vst v3;
	v3 =	vsel vm0, $0x3F800000, v0;
	vm0 =	vgt.f32 v2, $0.0e+00  }
0x1ea: {  	[tilespmem:s1+$0x14140] =	vst v3;
	v2 =	vsel vm0, $0x3F800000, v0;
	vm0 =	vgt.f32 v1, $0.0e+00  }
0x1eb: {  	[tilespmem:s1+$0x14150] =	vst v2;
	v1 =	vsel vm0, $0x3F800000, v0  }
0x1ec: {  	[tilespmem:s1+$0x14160] =	vst v1  }
0x1ed: {  	v1 =	vld [tilespmem:s26+$0x41F0]  }
0x1ee: {  	v2 =	vld [tilespmem:s26+$0xC1F0]  }
0x1ef: {  	v3 =	vld [tilespmem:s26+$0x4180]  }
0x1f0: {  	v4 =	vld [tilespmem:s26+$0xC180]  }
0x1f1: {  	v5 =	vld [tilespmem:s26+$0x4190]  }
0x1f2: {  	v6 =	vld [tilespmem:s26+$0xC190]  }
0x1f3: {  	v7 =	vld [tilespmem:s26+$0x41A0]  }
0x1f4: {  	v8 =	vld [tilespmem:s26+$0xC1A0]  }
0x1f5: {  	v9 =	vld [tilespmem:s26+$0x41B0];
	v1 =	vadd.f32 v2, v1  }
0x1f6: {  	v2 =	vadd.f32 v4, v3;
	v4 =	vld [tilespmem:s26+$0xC1B0]  }
0x1f7: {  	v5 =	vadd.f32 v6, v5;
	v3 =	vld [tilespmem:s26+$0xC1C0];
	vm0 =	vgt.f32 v1, $0.0e+00  }
0x1f8: {  	v1 =	vld [tilespmem:s26+$0x41C0];
	v6 =	vsel vm0, $0x3F800000, v0;
	vm0 =	vgt.f32 v2, $0.0e+00  }
0x1f9: {  	v7 =	vadd.f32 v8, v7;
	v2 =	vld [tilespmem:s26+$0x41D0];
	[tilespmem:s26+$0x141F0] =	vst v6;
	v6 =	vsel vm0, $0x3F800000, v0;
	vm0 =	vgt.f32 v5, $0.0e+00  }
0x1fa: {  	v5 =	vld [tilespmem:s26+$0xC1D0];
	[tilespmem:s26+$0x14180] =	vst v6;
	v6 =	vsel vm0, $0x3F800000, v0  }
0x1fb: {  	s0 =	simm.s32 $0x0;
	s1 =	simm.s32 $0x1000;
	vm0 =	vgt.f32 v7, $0.0e+00;
	[tilespmem:s26+$0x14190] =	vst v6;
	v6 =	vadd.f32 v4, v9;
	v4 =	vld [tilespmem:s26+$0x41E0]  }
.LBB2_25:
0x1fc: {  	s28 =	sshra.s32 s1, $0x2;
	v7 =	vsel vm0, $0x3F800000, v0;
	v8 =	vld [tilespmem:s26+$0xC1E0]  }
0x1fd: {  	s0 =	sadd.s32 $0x80, s0;
	v9 =	vld [tilespmem:s28+$0x41F0];
	[tilespmem:s26+$0x141A0] =	vst v7;
	vm0 =	vgt.f32 v6, $0.0e+00;
	v1 =	vadd.f32 v3, v1  }
0x1fe: {  	p0 =	slt.u32 s0, $0x780;
	v3 =	vld [tilespmem:s28+$0xC1F0];
	v6 =	vsel vm0, $0x3F800000, v0  }
0x1ff: {  	v7 =	vld [tilespmem:s28+$0x4180];
	[tilespmem:s26+$0x141B0] =	vst v6;
	vm0 =	vgt.f32 v1, $0.0e+00;
	v1 =	vadd.f32 v5, v2  }
0x200: {  	v2 =	vld [tilespmem:s28+$0xC180];
	v5 =	vsel vm0, $0x3F800000, v0  }
0x201: {  	v6 =	vld [tilespmem:s28+$0x4190];
	[tilespmem:s26+$0x141C0] =	vst v5;
	vm0 =	vgt.f32 v1, $0.0e+00;
	v1 =	vadd.f32 v8, v4  }
0x202: {  	v4 =	vld [tilespmem:s28+$0xC190];
	v5 =	vsel vm0, $0x3F800000, v0  }
0x203: {  	v8 =	vld [tilespmem:s28+$0x41A0];
	v3 =	vadd.f32 v3, v9;
	[tilespmem:s26+$0x141D0] =	vst v5;
	vm0 =	vgt.f32 v1, $0.0e+00  }
0x204: {  	v5 =	vld [tilespmem:s28+$0xC1A0];
	v1 =	vsel vm0, $0x3F800000, v0  }
0x205: {  	v2 =	vadd.f32 v2, v7;
	v7 =	vld [tilespmem:s28+$0x41B0];
	vm0 =	vgt.f32 v3, $0.0e+00;
	[tilespmem:s26+$0x141E0] =	vst v1;
	s26 =	smov.u32 s28  }
0x206: {  	v9 =	vld [tilespmem:s26+$0xC1B0];
	v3 =	vsel vm0, $0x3F800000, v0  }
.Ltmp13:
0x207: {  	vm0 =	vgt.f32 v2, $0.0e+00;
	v2 =	vadd.f32 v4, v6;
	v1 =	vld [tilespmem:s26+$0x41C0];
	[tilespmem:s26+$0x141F0] =	vst v3;
	(pc) =	sbr.rel @p0 .LBB2_25-.Ltmp13, $4  }
0x208: {  	v4 =	vsel vm0, $0x3F800000, v0;
	v3 =	vld [tilespmem:s26+$0xC1C0]  }
0x209: {  	[tilespmem:s26+$0x14180] =	vst v4;
	vm0 =	vgt.f32 v2, $0.0e+00;
	v4 =	vadd.f32 v5, v8;
	v2 =	vld [tilespmem:s26+$0x41D0]  }
0x20a: {  	v6 =	vsel vm0, $0x3F800000, v0;
	v5 =	vld [tilespmem:s26+$0xC1D0]  }
0x20b: {  	s1 =	sadd.s32 $0x1000, s1;
	[tilespmem:s26+$0x14190] =	vst v6;
	vm0 =	vgt.f32 v4, $0.0e+00;
	v6 =	vadd.f32 v9, v7;
	v4 =	vld [tilespmem:s26+$0x41E0]  }
0x20c: {  	v7 =	vld [tilespmem:s26+$0xC1E0];
	_ =	sdelay $0x2  }
0x20d: {  	v1 =	vadd.f32 v3, v1  }
0x20e: {  	v3 =	vsel vm0, $0x3F800000, v0;
	vm0 =	vgt.f32 v6, $0.0e+00;
	v2 =	vadd.f32 v5, v2  }
0x20f: {  	[tilespmem:s26+$0x141A0] =	vst v3;
	v3 =	vsel vm0, $0x3F800000, v0;
	vm0 =	vgt.f32 v1, $0.0e+00;
	v1 =	vadd.f32 v7, v4  }
0x210: {  	[tilespmem:s26+$0x141B0] =	vst v3;
	v3 =	vsel vm0, $0x3F800000, v0;
	vm0 =	vgt.f32 v2, $0.0e+00  }
0x211: {  	[tilespmem:s26+$0x141C0] =	vst v3;
	v2 =	vsel vm0, $0x3F800000, v0;
	vm0 =	vgt.f32 v1, $0.0e+00  }
0x212: {  	[tilespmem:s26+$0x141D0] =	vst v2;
	v1 =	vsel vm0, $0x3F800000, v0  }
0x213: {  	[tilespmem:s26+$0x141E0] =	vst v1;
	s26 =	simm.s32 $0x0  }
0x214: {  	v1 =	vld [tilespmem:s26+$0x4270]  }
0x215: {  	v2 =	vld [tilespmem:s26+$0xC270]  }
0x216: {  	v3 =	vld [tilespmem:s26+$0x4200]  }
0x217: {  	v4 =	vld [tilespmem:s26+$0xC200]  }
0x218: {  	v5 =	vld [tilespmem:s26+$0x4210]  }
0x219: {  	v6 =	vld [tilespmem:s26+$0xC210]  }
0x21a: {  	v7 =	vld [tilespmem:s26+$0x4220]  }
0x21b: {  	v8 =	vld [tilespmem:s26+$0xC220]  }
0x21c: {  	v9 =	vld [tilespmem:s26+$0x4230];
	v1 =	vadd.f32 v2, v1  }
0x21d: {  	v2 =	vadd.f32 v4, v3;
	v4 =	vld [tilespmem:s26+$0xC230]  }
0x21e: {  	v5 =	vadd.f32 v6, v5;
	v3 =	vld [tilespmem:s26+$0xC240];
	vm0 =	vgt.f32 v1, $0.0e+00  }
0x21f: {  	v1 =	vld [tilespmem:s26+$0x4240];
	v6 =	vsel vm0, $0x3F800000, v0;
	vm0 =	vgt.f32 v2, $0.0e+00  }
0x220: {  	v7 =	vadd.f32 v8, v7;
	v2 =	vld [tilespmem:s26+$0x4250];
	[tilespmem:s26+$0x14270] =	vst v6;
	v6 =	vsel vm0, $0x3F800000, v0;
	vm0 =	vgt.f32 v5, $0.0e+00  }
0x221: {  	v5 =	vld [tilespmem:s26+$0xC250];
	[tilespmem:s26+$0x14200] =	vst v6;
	v6 =	vsel vm0, $0x3F800000, v0  }
0x222: {  	s0 =	simm.s32 $0x0;
	s28 =	simm.s32 $0x1000;
	s1 =	simm.s32 $0x0;
	vm0 =	vgt.f32 v7, $0.0e+00;
	[tilespmem:s26+$0x14210] =	vst v6;
	v6 =	vadd.f32 v4, v9;
	v4 =	vld [tilespmem:s26+$0x4260]  }
.LBB2_27:
0x223: {  	s29 =	sshra.s32 s28, $0x2;
	v7 =	vsel vm0, $0x3F800000, v0;
	v8 =	vld [tilespmem:s1+$0xC260]  }
0x224: {  	s0 =	sadd.s32 $0x80, s0;
	v9 =	vld [tilespmem:s29+$0x4270];
	[tilespmem:s1+$0x14220] =	vst v7;
	vm0 =	vgt.f32 v6, $0.0e+00;
	v1 =	vadd.f32 v3, v1  }
0x225: {  	p0 =	slt.u32 s0, $0x780;
	v3 =	vld [tilespmem:s29+$0xC270];
	v6 =	vsel vm0, $0x3F800000, v0  }
0x226: {  	v7 =	vld [tilespmem:s29+$0x4200];
	[tilespmem:s1+$0x14230] =	vst v6;
	vm0 =	vgt.f32 v1, $0.0e+00;
	v1 =	vadd.f32 v5, v2  }
0x227: {  	v2 =	vld [tilespmem:s29+$0xC200];
	v5 =	vsel vm0, $0x3F800000, v0  }
0x228: {  	v6 =	vld [tilespmem:s29+$0x4210];
	[tilespmem:s1+$0x14240] =	vst v5;
	vm0 =	vgt.f32 v1, $0.0e+00;
	v1 =	vadd.f32 v8, v4  }
0x229: {  	v4 =	vld [tilespmem:s29+$0xC210];
	v5 =	vsel vm0, $0x3F800000, v0  }
0x22a: {  	v8 =	vld [tilespmem:s29+$0x4220];
	v3 =	vadd.f32 v3, v9;
	[tilespmem:s1+$0x14250] =	vst v5;
	vm0 =	vgt.f32 v1, $0.0e+00  }
0x22b: {  	v5 =	vld [tilespmem:s29+$0xC220];
	v1 =	vsel vm0, $0x3F800000, v0  }
0x22c: {  	v2 =	vadd.f32 v2, v7;
	v7 =	vld [tilespmem:s29+$0x4230];
	vm0 =	vgt.f32 v3, $0.0e+00;
	[tilespmem:s1+$0x14260] =	vst v1;
	s1 =	smov.u32 s29  }
0x22d: {  	v9 =	vld [tilespmem:s1+$0xC230];
	v3 =	vsel vm0, $0x3F800000, v0  }
.Ltmp14:
0x22e: {  	vm0 =	vgt.f32 v2, $0.0e+00;
	v2 =	vadd.f32 v4, v6;
	v1 =	vld [tilespmem:s1+$0x4240];
	[tilespmem:s1+$0x14270] =	vst v3;
	(pc) =	sbr.rel @p0 .LBB2_27-.Ltmp14, $4  }
0x22f: {  	v4 =	vsel vm0, $0x3F800000, v0;
	v3 =	vld [tilespmem:s1+$0xC240]  }
0x230: {  	[tilespmem:s1+$0x14200] =	vst v4;
	vm0 =	vgt.f32 v2, $0.0e+00;
	v4 =	vadd.f32 v5, v8;
	v2 =	vld [tilespmem:s1+$0x4250]  }
0x231: {  	v6 =	vsel vm0, $0x3F800000, v0;
	v5 =	vld [tilespmem:s1+$0xC250]  }
0x232: {  	s28 =	sadd.s32 $0x1000, s28;
	[tilespmem:s1+$0x14210] =	vst v6;
	vm0 =	vgt.f32 v4, $0.0e+00;
	v6 =	vadd.f32 v9, v7;
	v4 =	vld [tilespmem:s1+$0x4260]  }
0x233: {  	v7 =	vld [tilespmem:s1+$0xC260];
	_ =	sdelay $0x2  }
0x234: {  	v1 =	vadd.f32 v3, v1  }
0x235: {  	v3 =	vsel vm0, $0x3F800000, v0;
	vm0 =	vgt.f32 v6, $0.0e+00;
	v2 =	vadd.f32 v5, v2  }
0x236: {  	[tilespmem:s1+$0x14220] =	vst v3;
	v3 =	vsel vm0, $0x3F800000, v0;
	vm0 =	vgt.f32 v1, $0.0e+00;
	v1 =	vadd.f32 v7, v4  }
0x237: {  	[tilespmem:s1+$0x14230] =	vst v3;
	v3 =	vsel vm0, $0x3F800000, v0;
	vm0 =	vgt.f32 v2, $0.0e+00  }
0x238: {  	[tilespmem:s1+$0x14240] =	vst v3;
	v2 =	vsel vm0, $0x3F800000, v0;
	vm0 =	vgt.f32 v1, $0.0e+00  }
0x239: {  	[tilespmem:s1+$0x14250] =	vst v2;
	v1 =	vsel vm0, $0x3F800000, v0  }
0x23a: {  	[tilespmem:s1+$0x14260] =	vst v1  }
0x23b: {  	v1 =	vld [tilespmem:s26+$0x42F0]  }
0x23c: {  	v2 =	vld [tilespmem:s26+$0xC2F0]  }
0x23d: {  	v3 =	vld [tilespmem:s26+$0x4280]  }
0x23e: {  	v4 =	vld [tilespmem:s26+$0xC280]  }
0x23f: {  	v5 =	vld [tilespmem:s26+$0x4290]  }
0x240: {  	v6 =	vld [tilespmem:s26+$0xC290]  }
0x241: {  	v7 =	vld [tilespmem:s26+$0x42A0]  }
0x242: {  	v8 =	vld [tilespmem:s26+$0xC2A0]  }
0x243: {  	v9 =	vld [tilespmem:s26+$0x42B0];
	v1 =	vadd.f32 v2, v1  }
0x244: {  	v2 =	vadd.f32 v4, v3;
	v4 =	vld [tilespmem:s26+$0xC2B0]  }
0x245: {  	v5 =	vadd.f32 v6, v5;
	v3 =	vld [tilespmem:s26+$0xC2C0];
	vm0 =	vgt.f32 v1, $0.0e+00  }
0x246: {  	v1 =	vld [tilespmem:s26+$0x42C0];
	v6 =	vsel vm0, $0x3F800000, v0;
	vm0 =	vgt.f32 v2, $0.0e+00  }
0x247: {  	v7 =	vadd.f32 v8, v7;
	v2 =	vld [tilespmem:s26+$0x42D0];
	[tilespmem:s26+$0x142F0] =	vst v6;
	v6 =	vsel vm0, $0x3F800000, v0;
	vm0 =	vgt.f32 v5, $0.0e+00  }
0x248: {  	v5 =	vld [tilespmem:s26+$0xC2D0];
	[tilespmem:s26+$0x14280] =	vst v6;
	v6 =	vsel vm0, $0x3F800000, v0  }
0x249: {  	s0 =	simm.s32 $0x0;
	s1 =	simm.s32 $0x1000;
	vm0 =	vgt.f32 v7, $0.0e+00;
	[tilespmem:s26+$0x14290] =	vst v6;
	v6 =	vadd.f32 v4, v9;
	v4 =	vld [tilespmem:s26+$0x42E0]  }
.LBB2_29:
0x24a: {  	s28 =	sshra.s32 s1, $0x2;
	v7 =	vsel vm0, $0x3F800000, v0;
	v8 =	vld [tilespmem:s26+$0xC2E0]  }
0x24b: {  	s0 =	sadd.s32 $0x80, s0;
	v9 =	vld [tilespmem:s28+$0x42F0];
	[tilespmem:s26+$0x142A0] =	vst v7;
	vm0 =	vgt.f32 v6, $0.0e+00;
	v1 =	vadd.f32 v3, v1  }
0x24c: {  	p0 =	slt.u32 s0, $0x780;
	v3 =	vld [tilespmem:s28+$0xC2F0];
	v6 =	vsel vm0, $0x3F800000, v0  }
0x24d: {  	v7 =	vld [tilespmem:s28+$0x4280];
	[tilespmem:s26+$0x142B0] =	vst v6;
	vm0 =	vgt.f32 v1, $0.0e+00;
	v1 =	vadd.f32 v5, v2  }
0x24e: {  	v2 =	vld [tilespmem:s28+$0xC280];
	v5 =	vsel vm0, $0x3F800000, v0  }
0x24f: {  	v6 =	vld [tilespmem:s28+$0x4290];
	[tilespmem:s26+$0x142C0] =	vst v5;
	vm0 =	vgt.f32 v1, $0.0e+00;
	v1 =	vadd.f32 v8, v4  }
0x250: {  	v4 =	vld [tilespmem:s28+$0xC290];
	v5 =	vsel vm0, $0x3F800000, v0  }
0x251: {  	v8 =	vld [tilespmem:s28+$0x42A0];
	v3 =	vadd.f32 v3, v9;
	[tilespmem:s26+$0x142D0] =	vst v5;
	vm0 =	vgt.f32 v1, $0.0e+00  }
0x252: {  	v5 =	vld [tilespmem:s28+$0xC2A0];
	v1 =	vsel vm0, $0x3F800000, v0  }
0x253: {  	v2 =	vadd.f32 v2, v7;
	v7 =	vld [tilespmem:s28+$0x42B0];
	vm0 =	vgt.f32 v3, $0.0e+00;
	[tilespmem:s26+$0x142E0] =	vst v1;
	s26 =	smov.u32 s28  }
0x254: {  	v9 =	vld [tilespmem:s26+$0xC2B0];
	v3 =	vsel vm0, $0x3F800000, v0  }
.Ltmp15:
0x255: {  	vm0 =	vgt.f32 v2, $0.0e+00;
	v2 =	vadd.f32 v4, v6;
	v1 =	vld [tilespmem:s26+$0x42C0];
	[tilespmem:s26+$0x142F0] =	vst v3;
	(pc) =	sbr.rel @p0 .LBB2_29-.Ltmp15, $4  }
0x256: {  	v4 =	vsel vm0, $0x3F800000, v0;
	v3 =	vld [tilespmem:s26+$0xC2C0]  }
0x257: {  	[tilespmem:s26+$0x14280] =	vst v4;
	vm0 =	vgt.f32 v2, $0.0e+00;
	v4 =	vadd.f32 v5, v8;
	v2 =	vld [tilespmem:s26+$0x42D0]  }
0x258: {  	v6 =	vsel vm0, $0x3F800000, v0;
	v5 =	vld [tilespmem:s26+$0xC2D0]  }
0x259: {  	s1 =	sadd.s32 $0x1000, s1;
	[tilespmem:s26+$0x14290] =	vst v6;
	vm0 =	vgt.f32 v4, $0.0e+00;
	v6 =	vadd.f32 v9, v7;
	v4 =	vld [tilespmem:s26+$0x42E0]  }
0x25a: {  	v7 =	vld [tilespmem:s26+$0xC2E0];
	_ =	sdelay $0x2  }
0x25b: {  	v1 =	vadd.f32 v3, v1  }
0x25c: {  	v3 =	vsel vm0, $0x3F800000, v0;
	vm0 =	vgt.f32 v6, $0.0e+00;
	v2 =	vadd.f32 v5, v2  }
0x25d: {  	[tilespmem:s26+$0x142A0] =	vst v3;
	v3 =	vsel vm0, $0x3F800000, v0;
	vm0 =	vgt.f32 v1, $0.0e+00;
	v1 =	vadd.f32 v7, v4  }
0x25e: {  	[tilespmem:s26+$0x142B0] =	vst v3;
	v3 =	vsel vm0, $0x3F800000, v0;
	vm0 =	vgt.f32 v2, $0.0e+00  }
0x25f: {  	[tilespmem:s26+$0x142C0] =	vst v3;
	v2 =	vsel vm0, $0x3F800000, v0;
	vm0 =	vgt.f32 v1, $0.0e+00  }
0x260: {  	[tilespmem:s26+$0x142D0] =	vst v2;
	v1 =	vsel vm0, $0x3F800000, v0  }
0x261: {  	[tilespmem:s26+$0x142E0] =	vst v1;
	s26 =	simm.s32 $0x0  }
0x262: {  	v1 =	vld [tilespmem:s26+$0x4370]  }
0x263: {  	v2 =	vld [tilespmem:s26+$0xC370]  }
0x264: {  	v3 =	vld [tilespmem:s26+$0x4300]  }
0x265: {  	v4 =	vld [tilespmem:s26+$0xC300]  }
0x266: {  	v5 =	vld [tilespmem:s26+$0x4310]  }
0x267: {  	v6 =	vld [tilespmem:s26+$0xC310]  }
0x268: {  	v7 =	vld [tilespmem:s26+$0x4320]  }
0x269: {  	v8 =	vld [tilespmem:s26+$0xC320]  }
0x26a: {  	v9 =	vld [tilespmem:s26+$0x4330];
	v1 =	vadd.f32 v2, v1  }
0x26b: {  	v2 =	vadd.f32 v4, v3;
	v4 =	vld [tilespmem:s26+$0xC330]  }
0x26c: {  	v5 =	vadd.f32 v6, v5;
	v3 =	vld [tilespmem:s26+$0xC340];
	vm0 =	vgt.f32 v1, $0.0e+00  }
0x26d: {  	v1 =	vld [tilespmem:s26+$0x4340];
	v6 =	vsel vm0, $0x3F800000, v0;
	vm0 =	vgt.f32 v2, $0.0e+00  }
0x26e: {  	v7 =	vadd.f32 v8, v7;
	v2 =	vld [tilespmem:s26+$0x4350];
	[tilespmem:s26+$0x14370] =	vst v6;
	v6 =	vsel vm0, $0x3F800000, v0;
	vm0 =	vgt.f32 v5, $0.0e+00  }
0x26f: {  	v5 =	vld [tilespmem:s26+$0xC350];
	[tilespmem:s26+$0x14300] =	vst v6;
	v6 =	vsel vm0, $0x3F800000, v0  }
0x270: {  	s0 =	simm.s32 $0x0;
	s28 =	simm.s32 $0x1000;
	s1 =	simm.s32 $0x0;
	vm0 =	vgt.f32 v7, $0.0e+00;
	[tilespmem:s26+$0x14310] =	vst v6;
	v6 =	vadd.f32 v4, v9;
	v4 =	vld [tilespmem:s26+$0x4360]  }
.LBB2_31:
0x271: {  	s29 =	sshra.s32 s28, $0x2;
	v7 =	vsel vm0, $0x3F800000, v0;
	v8 =	vld [tilespmem:s1+$0xC360]  }
0x272: {  	s0 =	sadd.s32 $0x80, s0;
	v9 =	vld [tilespmem:s29+$0x4370];
	[tilespmem:s1+$0x14320] =	vst v7;
	vm0 =	vgt.f32 v6, $0.0e+00;
	v1 =	vadd.f32 v3, v1  }
0x273: {  	p0 =	slt.u32 s0, $0x780;
	v3 =	vld [tilespmem:s29+$0xC370];
	v6 =	vsel vm0, $0x3F800000, v0  }
0x274: {  	v7 =	vld [tilespmem:s29+$0x4300];
	[tilespmem:s1+$0x14330] =	vst v6;
	vm0 =	vgt.f32 v1, $0.0e+00;
	v1 =	vadd.f32 v5, v2  }
0x275: {  	v2 =	vld [tilespmem:s29+$0xC300];
	v5 =	vsel vm0, $0x3F800000, v0  }
0x276: {  	v6 =	vld [tilespmem:s29+$0x4310];
	[tilespmem:s1+$0x14340] =	vst v5;
	vm0 =	vgt.f32 v1, $0.0e+00;
	v1 =	vadd.f32 v8, v4  }
0x277: {  	v4 =	vld [tilespmem:s29+$0xC310];
	v5 =	vsel vm0, $0x3F800000, v0  }
0x278: {  	v8 =	vld [tilespmem:s29+$0x4320];
	v3 =	vadd.f32 v3, v9;
	[tilespmem:s1+$0x14350] =	vst v5;
	vm0 =	vgt.f32 v1, $0.0e+00  }
0x279: {  	v5 =	vld [tilespmem:s29+$0xC320];
	v1 =	vsel vm0, $0x3F800000, v0  }
0x27a: {  	v2 =	vadd.f32 v2, v7;
	v7 =	vld [tilespmem:s29+$0x4330];
	vm0 =	vgt.f32 v3, $0.0e+00;
	[tilespmem:s1+$0x14360] =	vst v1;
	s1 =	smov.u32 s29  }
0x27b: {  	v9 =	vld [tilespmem:s1+$0xC330];
	v3 =	vsel vm0, $0x3F800000, v0  }
.Ltmp16:
0x27c: {  	vm0 =	vgt.f32 v2, $0.0e+00;
	v2 =	vadd.f32 v4, v6;
	v1 =	vld [tilespmem:s1+$0x4340];
	[tilespmem:s1+$0x14370] =	vst v3;
	(pc) =	sbr.rel @p0 .LBB2_31-.Ltmp16, $4  }
0x27d: {  	v4 =	vsel vm0, $0x3F800000, v0;
	v3 =	vld [tilespmem:s1+$0xC340]  }
0x27e: {  	[tilespmem:s1+$0x14300] =	vst v4;
	vm0 =	vgt.f32 v2, $0.0e+00;
	v4 =	vadd.f32 v5, v8;
	v2 =	vld [tilespmem:s1+$0x4350]  }
0x27f: {  	v6 =	vsel vm0, $0x3F800000, v0;
	v5 =	vld [tilespmem:s1+$0xC350]  }
0x280: {  	s28 =	sadd.s32 $0x1000, s28;
	[tilespmem:s1+$0x14310] =	vst v6;
	vm0 =	vgt.f32 v4, $0.0e+00;
	v6 =	vadd.f32 v9, v7;
	v4 =	vld [tilespmem:s1+$0x4360]  }
0x281: {  	v7 =	vld [tilespmem:s1+$0xC360];
	_ =	sdelay $0x2  }
0x282: {  	v1 =	vadd.f32 v3, v1  }
0x283: {  	v3 =	vsel vm0, $0x3F800000, v0;
	vm0 =	vgt.f32 v6, $0.0e+00;
	v2 =	vadd.f32 v5, v2  }
0x284: {  	[tilespmem:s1+$0x14320] =	vst v3;
	v3 =	vsel vm0, $0x3F800000, v0;
	vm0 =	vgt.f32 v1, $0.0e+00;
	v1 =	vadd.f32 v7, v4  }
0x285: {  	[tilespmem:s1+$0x14330] =	vst v3;
	v3 =	vsel vm0, $0x3F800000, v0;
	vm0 =	vgt.f32 v2, $0.0e+00  }
0x286: {  	[tilespmem:s1+$0x14340] =	vst v3;
	v2 =	vsel vm0, $0x3F800000, v0;
	vm0 =	vgt.f32 v1, $0.0e+00  }
0x287: {  	[tilespmem:s1+$0x14350] =	vst v2;
	v1 =	vsel vm0, $0x3F800000, v0  }
0x288: {  	[tilespmem:s1+$0x14360] =	vst v1  }
0x289: {  	v1 =	vld [tilespmem:s26+$0x43F0]  }
0x28a: {  	v2 =	vld [tilespmem:s26+$0xC3F0]  }
0x28b: {  	v3 =	vld [tilespmem:s26+$0x4380]  }
0x28c: {  	v4 =	vld [tilespmem:s26+$0xC380]  }
0x28d: {  	v5 =	vld [tilespmem:s26+$0x4390]  }
0x28e: {  	v6 =	vld [tilespmem:s26+$0xC390]  }
0x28f: {  	v7 =	vld [tilespmem:s26+$0x43A0]  }
0x290: {  	v8 =	vld [tilespmem:s26+$0xC3A0]  }
0x291: {  	v9 =	vld [tilespmem:s26+$0x43B0];
	v1 =	vadd.f32 v2, v1  }
0x292: {  	v2 =	vadd.f32 v4, v3;
	v4 =	vld [tilespmem:s26+$0xC3B0]  }
0x293: {  	v5 =	vadd.f32 v6, v5;
	v3 =	vld [tilespmem:s26+$0xC3C0];
	vm0 =	vgt.f32 v1, $0.0e+00  }
0x294: {  	v1 =	vld [tilespmem:s26+$0x43C0];
	v6 =	vsel vm0, $0x3F800000, v0;
	vm0 =	vgt.f32 v2, $0.0e+00  }
0x295: {  	v7 =	vadd.f32 v8, v7;
	v2 =	vld [tilespmem:s26+$0x43D0];
	[tilespmem:s26+$0x143F0] =	vst v6;
	v6 =	vsel vm0, $0x3F800000, v0;
	vm0 =	vgt.f32 v5, $0.0e+00  }
0x296: {  	v5 =	vld [tilespmem:s26+$0xC3D0];
	[tilespmem:s26+$0x14380] =	vst v6;
	v6 =	vsel vm0, $0x3F800000, v0  }
0x297: {  	s0 =	simm.s32 $0x0;
	s1 =	simm.s32 $0x1000;
	vm0 =	vgt.f32 v7, $0.0e+00;
	[tilespmem:s26+$0x14390] =	vst v6;
	v6 =	vadd.f32 v4, v9;
	v4 =	vld [tilespmem:s26+$0x43E0]  }
.LBB2_33:
0x298: {  	s28 =	sshra.s32 s1, $0x2;
	v7 =	vsel vm0, $0x3F800000, v0;
	v8 =	vld [tilespmem:s26+$0xC3E0]  }
0x299: {  	s0 =	sadd.s32 $0x80, s0;
	v9 =	vld [tilespmem:s28+$0x43F0];
	[tilespmem:s26+$0x143A0] =	vst v7;
	vm0 =	vgt.f32 v6, $0.0e+00;
	v1 =	vadd.f32 v3, v1  }
0x29a: {  	p0 =	slt.u32 s0, $0x780;
	v3 =	vld [tilespmem:s28+$0xC3F0];
	v6 =	vsel vm0, $0x3F800000, v0  }
0x29b: {  	v7 =	vld [tilespmem:s28+$0x4380];
	[tilespmem:s26+$0x143B0] =	vst v6;
	vm0 =	vgt.f32 v1, $0.0e+00;
	v1 =	vadd.f32 v5, v2  }
0x29c: {  	v2 =	vld [tilespmem:s28+$0xC380];
	v5 =	vsel vm0, $0x3F800000, v0  }
0x29d: {  	v6 =	vld [tilespmem:s28+$0x4390];
	[tilespmem:s26+$0x143C0] =	vst v5;
	vm0 =	vgt.f32 v1, $0.0e+00;
	v1 =	vadd.f32 v8, v4  }
0x29e: {  	v4 =	vld [tilespmem:s28+$0xC390];
	v5 =	vsel vm0, $0x3F800000, v0  }
0x29f: {  	v8 =	vld [tilespmem:s28+$0x43A0];
	v3 =	vadd.f32 v3, v9;
	[tilespmem:s26+$0x143D0] =	vst v5;
	vm0 =	vgt.f32 v1, $0.0e+00  }
0x2a0: {  	v5 =	vld [tilespmem:s28+$0xC3A0];
	v1 =	vsel vm0, $0x3F800000, v0  }
0x2a1: {  	v2 =	vadd.f32 v2, v7;
	v7 =	vld [tilespmem:s28+$0x43B0];
	vm0 =	vgt.f32 v3, $0.0e+00;
	[tilespmem:s26+$0x143E0] =	vst v1;
	s26 =	smov.u32 s28  }
0x2a2: {  	v9 =	vld [tilespmem:s26+$0xC3B0];
	v3 =	vsel vm0, $0x3F800000, v0  }
.Ltmp17:
0x2a3: {  	vm0 =	vgt.f32 v2, $0.0e+00;
	v2 =	vadd.f32 v4, v6;
	v1 =	vld [tilespmem:s26+$0x43C0];
	[tilespmem:s26+$0x143F0] =	vst v3;
	(pc) =	sbr.rel @p0 .LBB2_33-.Ltmp17, $4  }
0x2a4: {  	v4 =	vsel vm0, $0x3F800000, v0;
	v3 =	vld [tilespmem:s26+$0xC3C0]  }
0x2a5: {  	[tilespmem:s26+$0x14380] =	vst v4;
	vm0 =	vgt.f32 v2, $0.0e+00;
	v4 =	vadd.f32 v5, v8;
	v2 =	vld [tilespmem:s26+$0x43D0]  }
0x2a6: {  	v6 =	vsel vm0, $0x3F800000, v0;
	v5 =	vld [tilespmem:s26+$0xC3D0]  }
0x2a7: {  	s1 =	sadd.s32 $0x1000, s1;
	[tilespmem:s26+$0x14390] =	vst v6;
	vm0 =	vgt.f32 v4, $0.0e+00;
	v6 =	vadd.f32 v9, v7;
	v4 =	vld [tilespmem:s26+$0x43E0]  }
0x2a8: {  	v7 =	vld [tilespmem:s26+$0xC3E0];
	_ =	sdelay $0x2  }
0x2a9: {  	v1 =	vadd.f32 v3, v1  }
0x2aa: {  	v3 =	vsel vm0, $0x3F800000, v0;
	vm12 =	vgt.f32 v6, $0.0e+00;
	v2 =	vadd.f32 v5, v2  }
0x2ab: {  	[tilespmem:s26+$0x143A0] =	vst v3;
	v3 =	vsel vm12, $0x3F800000, v0;
	vm13 =	vgt.f32 v1, $0.0e+00;
	v1 =	vadd.f32 v7, v4  }
.Ltmp18:
0x2ac: {  	[tilespmem:s26+$0x143B0] =	vst v3;
	v3 =	vsel vm13, $0x3F800000, v0;
	vm14 =	vgt.f32 v2, $0.0e+00;
	(pc) =	sbr.rel @p1 .LBB2_36-.Ltmp18, $4  }
0x2ad: {  	[tilespmem:s26+$0x143C0] =	vst v3;
	v2 =	vsel vm14, $0x3F800000, v0;
	vm15 =	vgt.f32 v1, $0.0e+00  }
0x2ae: {  	s0 =	sshll.u32 s24, $0xC;
	[tilespmem:s26+$0x143D0] =	vst v2;
	v1 =	vsel vm15, $0x3F800000, v0  }
0x2af: {  	s0 =	sadd.s32 s13, s0;
	[tilespmem:s26+$0x143E0] =	vst v1  }
0x2b0: {  	[hbm4b:s0+s3] =	stream.linear.scatter [tilespmem:s20], [sflag:$0x4], $0x4000, $0x38;
	[tilespmem:$0x18000] =	vst v63  }
0x2b1: {  	s0 =	sadd.s32 s25, s11  }
0x2b2: {  	s0 =	sshll.u32 s0, $0xB  }
.Ltmp19:
0x2b3: {  	s1 =	sadd.s32 s2, s0;
	s0 =	sand.u32 $0x1FFFF800, s0;
	(pc) =	sbr.rel .LBB2_2-.Ltmp19, $4  }
0x2b4: {  	[tilespmem:s15], [sflag:$0x2] =	stream.linear.gather [hbm4b:s1+s3], $0x4000, $0x38;
	[tilespmem:$0x18000] =	vst v63  }
0x2b5: {  	s0 =	sadd.s32 s2, s0  }
0x2b6: {  	s24 =	sadd.s32 $0x1, s24;
	s0 =	sadd.s32 $0x100000, s0  }
0x2b7: {  	[tilespmem:s16], [sflag:$0x2] =	stream.linear.gather [hbm4b:s0+s3], $0x4000, $0x38;
	[tilespmem:$0x18000] =	vst v63  }
.LBB2_37:
0x2b8: {  	_ =	sfence.sel $0x180000  }
0x2b9: {  	[bflag:$0x0] =	sbarrier.arrive $0xFFFF  }
0x2ba: {  	_ =	strace $0x90000047  }
0x2bb: {  	s0 =	stileid.u32;
	[bflag:$0x2] =	sbarrier.arrive $0xFFFF  }
0x2bc: {  	p0 =	sne.s32 s0, $0x0;
	s0 =	rddreg [dreg:$0x2]  }
0x2bd: {  	s0 =	sadd.s32 @!p0 $0x100000, s0  }
0x2be: {  	[sflag:s0] =	ssyncadd.tile.s32 @!p0 $0x1;
	_ =	shalt  }
.Lfunc_end2:
_tile_overlayer_lowered:
.L_overlay_start_2:
0x2bf: {  	(tag) =	ssettag $0x2  }
0x2c0: {  	s0 =	rddreg [dreg:$0x0];
	s2 =	stileid.u32  }
0x2c1: {  	s1 =	rddreg [dreg:$0x1];
	p0 =	sne.s32 s2, $0x0  }
0x2c2: {  	s3 =	rddreg [dreg:$0x2];
	[bflag:$0x3] =	sbarrier.arrive $0xFFFF;
	s2 =	simm.s32 @!p0 $0x1C05  }
0x2c3: {  	[timem:s3], [sflag:s2] =	dma.local @!p0 [hbm:s0], s1  }
0x2c4: {  	s0 =	simm.s32 @!p0 $0x5  }
0x2c5: {  	_ =	swait.ge @!p0 [sflag:s0], s1  }
0x2c6: {  	s1 =	ssub.s32 @!p0 $0x0, s1;
	[sflag:s0] =	ssyncset.done @!p0 $0x0  }
0x2c7: {  	[sflag:s0] =	ssyncadd.s32 @!p0 s1  }
0x2c8: {  	[bflag:$0x3] =	sbarrier.arrive $0xFFFF  }
0x2c9: {  	_ =	shalt  }

</sc_bundles>
